<compile_context>
chip_gen: v7x
topology: tpu7x:2x2x1
jax: 0.10.2.dev20260603
libtpu: 0.0.44.dev20260713+nightly
codegen_flags: <defaults>
</compile_context>

<pallas_src>
import functools

import jax
import jax.numpy as jnp
from jax import lax
from jax.experimental import pallas as pl
from jax.experimental.pallas import tpu as pltpu
from jax.experimental.pallas import tpu_sc as plsc

N_NODES = 100000
TOTAL_DIM = 128
SIZES = (80, 320, 400, 400, 400, 400, 400, 400, 320, 80)
OFFS = (0, 80, 400, 800, 1200, 1600, 2000, 2400, 2800, 3120)
MAXC = 400
NSLOTS = len(SIZES)
SPAN = 3200
LAST_SLOTS = 3
NUM_WORKERS_FULL = 31
NIDX = 3

_mesh = plsc.VectorSubcoreMesh(core_axis_name="c", subcore_axis_name="s")


@functools.partial(
    pl.kernel,
    mesh=_mesh,
    out_type=jax.ShapeDtypeStruct((N_NODES, TOTAL_DIM), jnp.float32),
    scratch_types=[pltpu.VMEM((MAXC,), jnp.int32) for _ in range(NIDX)]
    + [pltpu.VMEM((MAXC, TOTAL_DIM), jnp.float32) for _ in range(2)]
    + [pltpu.SemaphoreType.DMA for _ in range(NIDX + 2)],
)
def _gather_kernel(idx_hbm, table_hbm, out_hbm, *scratch):
    ibufs = scratch[:NIDX]
    rows = scratch[NIDX : NIDX + 2]
    isems = scratch[NIDX + 2 : 2 * NIDX + 2]
    gsems = scratch[2 * NIDX + 2 :]
    wid = lax.axis_index("s") * 2 + lax.axis_index("c")
    base = wid * SPAN
    full = wid < NUM_WORKERS_FULL

    def idesc(j):
        b = j % NIDX
        return pltpu.make_async_copy(
            idx_hbm.at[pl.ds(base + OFFS[j], SIZES[j])],
            ibufs[b].at[pl.ds(0, SIZES[j])],
            isems[b],
        )

    def gdesc(j):
        b = j % 2
        return pltpu.make_async_copy(
            table_hbm.at[ibufs[j % NIDX].at[pl.ds(0, SIZES[j])]],
            rows[b].at[pl.ds(0, SIZES[j])],
            gsems[b],
        )

    def wout(j):
        pltpu.sync_copy(
            rows[j % 2].at[pl.ds(0, SIZES[j])],
            out_hbm.at[pl.ds(base + OFFS[j], SIZES[j])],
        )

    def guarded(j, fn):
        if j < LAST_SLOTS:
            fn()
        else:

            @pl.when(full)
            def _():
                fn()

    idesc(0).start()
    idesc(1).start()
    idesc(0).wait()
    gdesc(0).start()
    for j in range(NSLOTS):
        if j + 2 < NSLOTS:
            guarded(j + 2, lambda j=j: idesc(j + 2).start())
        if j + 1 < NSLOTS:
            guarded(
                j + 1,
                lambda j=j: (idesc(j + 1).wait(), gdesc(j + 1).start()),
            )
        guarded(j, lambda j=j: (gdesc(j).wait(), wout(j)))


def kernel(atomic_numbers, embedding):
    idx = atomic_numbers.astype(jnp.int32)
    return _gather_kernel(idx, embedding)

# --- scband reference (transcript-rebuilt; emitter-appended) ---
"""Pipeline reference for scband-linear-node-embedding-7275674599667 (READ-ONLY COPY).

The authoritative reference and input builder live on the scoring server;
editing this copy changes nothing except your own understanding.
"""

import jax, jax.numpy as jnp
import numpy as np

NUM_TYPES = 100000
TOTAL_DIM = 128  # sum(hidden_irreps) = 64 + 64
N_NODES = 100000


def setup_inputs(seed: int = 0) -> dict:
    key = jax.random.key(seed)
    k_idx, k_emb = jax.random.split(key)
    atomic_numbers = jax.random.randint(k_idx, (N_NODES,), 0, NUM_TYPES, dtype=jnp.int64 if jax.config.jax_enable_x64 else jnp.int32)
    embedding = jax.random.normal(k_emb, (NUM_TYPES, TOTAL_DIM), dtype=jnp.float32)
    return {"atomic_numbers": atomic_numbers, "embedding": embedding}


def reference(atomic_numbers, embedding):
    # LinearNodeEmbedding.forward: nn.Embedding lookup -> gather rows of the table
    return jnp.take(embedding, atomic_numbers, axis=0)

if __name__ == "__main__":
    import jax
    _d = setup_inputs()
    print(jax.jit(kernel)(*tuple(_d.values())))

</pallas_src>

<mosaic_0001>
#map = affine_map<(d0, d1) -> (0)>
#map1 = affine_map<(d0, d1) -> (0, 0)>
module attributes {stable_mosaic.version = 14 : i64} {
  func.func @_gather_kernel(%arg0: i32, %arg1: i32, %arg2: memref<100000xi32, #tpu.memory_space<hbm>>, %arg3: memref<100000x128xf32, #tpu.memory_space<hbm>>, %arg4: memref<100000x128xf32, #tpu.memory_space<hbm>>, %arg5: memref<400xi32, #tpu.memory_space<vmem>>, %arg6: memref<400xi32, #tpu.memory_space<vmem>>, %arg7: memref<400xi32, #tpu.memory_space<vmem>>, %arg8: memref<400x128xf32, #tpu.memory_space<vmem>>, %arg9: memref<400x128xf32, #tpu.memory_space<vmem>>, %arg10: memref<!tpu.dma_semaphore, #tpu.memory_space<semaphore_mem>>, %arg11: memref<!tpu.dma_semaphore, #tpu.memory_space<semaphore_mem>>, %arg12: memref<!tpu.dma_semaphore, #tpu.memory_space<semaphore_mem>>, %arg13: memref<!tpu.dma_semaphore, #tpu.memory_space<semaphore_mem>>, %arg14: memref<!tpu.dma_semaphore, #tpu.memory_space<semaphore_mem>>) attributes {dimension_semantics = [#tpu.dimension_semantics<core_parallel>, #tpu.dimension_semantics<subcore_parallel>], iteration_bounds = array<i64: 2, 16>, scalar_prefetch = 0 : i64, scratch_operands = 10 : i64, tpu.core_type = #tpu.core_type<sc_vector_subcore>, window_params = [{transform_indices = #map}, {transform_indices = #map1}, {transform_indices = #map1}]} {
    %mul3A = arith.constant 2 : i32
    %mul3A_0 = arith.muli %arg1, %mul3A : i32
    %add3A = arith.addi %mul3A_0, %arg0 : i32
    %mul3A_1 = arith.constant 3200 : i32
    %mul3A_2 = arith.muli %add3A, %mul3A_1 : i32
    %lt3A = arith.constant 31 : i32
    %lt3A_3 = arith.cmpi slt, %add3A, %lt3A : i32
    %add3A_4 = arith.constant 0 : i32
    %add3A_5 = arith.addi %mul3A_2, %add3A_4 : i32
    %dma_start3A = arith.constant 0 : i32
    %dma_start3A_6 = tpu.memref_slice %arg5[%dma_start3A] : memref<400xi32, #tpu.memory_space<vmem>> -> memref<80xi32, #tpu.memory_space<vmem>>
    %dma_start3A_7 = tpu.memref_slice %arg2[%add3A_5] : memref<100000xi32, #tpu.memory_space<hbm>> -> memref<80xi32, #tpu.memory_space<hbm>>
    %dma_start3A_8 = arith.constant 0 : i32
    %dma_start3A_9 = tpu.memref_slice %arg5[%dma_start3A_8] : memref<400xi32, #tpu.memory_space<vmem>> -> memref<80xi32, #tpu.memory_space<vmem>>
    %dma_start3A_10 = tpu.memref_slice %arg2[%add3A_5] : memref<100000xi32, #tpu.memory_space<hbm>> -> memref<80xi32, #tpu.memory_space<hbm>>
    tpu.enqueue_dma source(%dma_start3A_10 : memref<80xi32, #tpu.memory_space<hbm>>) target(%dma_start3A_9 : memref<80xi32, #tpu.memory_space<vmem>>) target_semaphore(%arg10 : memref<!tpu.dma_semaphore, #tpu.memory_space<semaphore_mem>>)
    %add3A_11 = arith.constant 80 : i32
    %add3A_12 = arith.addi %mul3A_2, %add3A_11 : i32
    %dma_start3A_13 = arith.constant 0 : i32
    %dma_start3A_14 = tpu.memref_slice %arg6[%dma_start3A_13] : memref<400xi32, #tpu.memory_space<vmem>> -> memref<320xi32, #tpu.memory_space<vmem>>
    %dma_start3A_15 = tpu.memref_slice %arg2[%add3A_12] : memref<100000xi32, #tpu.memory_space<hbm>> -> memref<320xi32, #tpu.memory_space<hbm>>
    %dma_start3A_16 = arith.constant 0 : i32
    %dma_start3A_17 = tpu.memref_slice %arg6[%dma_start3A_16] : memref<400xi32, #tpu.memory_space<vmem>> -> memref<320xi32, #tpu.memory_space<vmem>>
    %dma_start3A_18 = tpu.memref_slice %arg2[%add3A_12] : memref<100000xi32, #tpu.memory_space<hbm>> -> memref<320xi32, #tpu.memory_space<hbm>>
    tpu.enqueue_dma source(%dma_start3A_18 : memref<320xi32, #tpu.memory_space<hbm>>) target(%dma_start3A_17 : memref<320xi32, #tpu.memory_space<vmem>>) target_semaphore(%arg11 : memref<!tpu.dma_semaphore, #tpu.memory_space<semaphore_mem>>)
    %add3A_19 = arith.constant 0 : i32
    %add3A_20 = arith.addi %mul3A_2, %add3A_19 : i32
    %dma_wait3A = arith.constant 0 : i32
    %dma_wait3A_21 = tpu.memref_slice %arg5[%dma_wait3A] : memref<400xi32, #tpu.memory_space<vmem>> -> memref<80xi32, #tpu.memory_space<vmem>>
    %dma_wait3A_22 = tpu.memref_slice %arg2[%add3A_20] : memref<100000xi32, #tpu.memory_space<hbm>> -> memref<80xi32, #tpu.memory_space<hbm>>
    %dma_wait3A_23 = arith.constant 0 : i32
    %dma_wait3A_24 = tpu.memref_slice %arg5[%dma_wait3A_23] : memref<400xi32, #tpu.memory_space<vmem>> -> memref<80xi32, #tpu.memory_space<vmem>>
    %dma_wait3A_25 = tpu.memref_slice %arg2[%add3A_20] : memref<100000xi32, #tpu.memory_space<hbm>> -> memref<80xi32, #tpu.memory_space<hbm>>
    tpu.wait_dma2 semaphore(%arg10 : memref<!tpu.dma_semaphore, #tpu.memory_space<semaphore_mem>>) src(%dma_wait3A_25 : memref<80xi32, #tpu.memory_space<hbm>>) dst(%dma_wait3A_24 : memref<80xi32, #tpu.memory_space<vmem>>)
    %dma_start3A_26 = arith.constant 0 : i32
    %dma_start3A_27 = arith.constant 0 : i32
    %dma_start3A_28 = tpu.memref_slice %arg8[%dma_start3A_26, %dma_start3A_27] : memref<400x128xf32, #tpu.memory_space<vmem>> -> memref<80x128xf32, #tpu.memory_space<vmem>>
    %dma_start3A_29 = arith.constant 0 : i32
    %dma_start3A_30 = tpu.memref_slice %arg5[%dma_start3A_29] : memref<400xi32, #tpu.memory_space<vmem>> -> memref<80xi32, #tpu.memory_space<vmem>>
    %dma_start3A_31 = arith.constant 0 : i32
    %dma_start3A_32 = arith.constant 0 : i32
    %dma_start3A_33 = tpu.memref_slice %arg3[%dma_start3A_31, %dma_start3A_32] : memref<100000x128xf32, #tpu.memory_space<hbm>> -> memref<100000x128xf32, #tpu.memory_space<hbm>>
    tpu.enqueue_indirect_dma source(%dma_start3A_33 : memref<100000x128xf32, #tpu.memory_space<hbm>>) target(%dma_start3A_28 : memref<80x128xf32, #tpu.memory_space<vmem>>) offsets(%dma_start3A_30 : memref<80xi32, #tpu.memory_space<vmem>>) semaphore(%arg13 : memref<!tpu.dma_semaphore, #tpu.memory_space<semaphore_mem>>)
    %add3A_34 = arith.constant 400 : i32
    %add3A_35 = arith.addi %mul3A_2, %add3A_34 : i32
    %dma_start3A_36 = arith.constant 0 : i32
    %dma_start3A_37 = tpu.memref_slice %arg7[%dma_start3A_36] : memref<400xi32, #tpu.memory_space<vmem>> -> memref<400xi32, #tpu.memory_space<vmem>>
    %dma_start3A_38 = tpu.memref_slice %arg2[%add3A_35] : memref<100000xi32, #tpu.memory_space<hbm>> -> memref<400xi32, #tpu.memory_space<hbm>>
    %dma_start3A_39 = arith.constant 0 : i32
    %dma_start3A_40 = tpu.memref_slice %arg7[%dma_start3A_39] : memref<400xi32, #tpu.memory_space<vmem>> -> memref<400xi32, #tpu.memory_space<vmem>>
    %dma_start3A_41 = tpu.memref_slice %arg2[%add3A_35] : memref<100000xi32, #tpu.memory_space<hbm>> -> memref<400xi32, #tpu.memory_space<hbm>>
    tpu.enqueue_dma source(%dma_start3A_41 : memref<400xi32, #tpu.memory_space<hbm>>) target(%dma_start3A_40 : memref<400xi32, #tpu.memory_space<vmem>>) target_semaphore(%arg12 : memref<!tpu.dma_semaphore, #tpu.memory_space<semaphore_mem>>)
    %add3A_42 = arith.constant 80 : i32
    %add3A_43 = arith.addi %mul3A_2, %add3A_42 : i32
    %dma_wait3A_44 = arith.constant 0 : i32
    %dma_wait3A_45 = tpu.memref_slice %arg6[%dma_wait3A_44] : memref<400xi32, #tpu.memory_space<vmem>> -> memref<320xi32, #tpu.memory_space<vmem>>
    %dma_wait3A_46 = tpu.memref_slice %arg2[%add3A_43] : memref<100000xi32, #tpu.memory_space<hbm>> -> memref<320xi32, #tpu.memory_space<hbm>>
    %dma_wait3A_47 = arith.constant 0 : i32
    %dma_wait3A_48 = tpu.memref_slice %arg6[%dma_wait3A_47] : memref<400xi32, #tpu.memory_space<vmem>> -> memref<320xi32, #tpu.memory_space<vmem>>
    %dma_wait3A_49 = tpu.memref_slice %arg2[%add3A_43] : memref<100000xi32, #tpu.memory_space<hbm>> -> memref<320xi32, #tpu.memory_space<hbm>>
    tpu.wait_dma2 semaphore(%arg11 : memref<!tpu.dma_semaphore, #tpu.memory_space<semaphore_mem>>) src(%dma_wait3A_49 : memref<320xi32, #tpu.memory_space<hbm>>) dst(%dma_wait3A_48 : memref<320xi32, #tpu.memory_space<vmem>>)
    %dma_start3A_50 = arith.constant 0 : i32
    %dma_start3A_51 = arith.constant 0 : i32
    %dma_start3A_52 = tpu.memref_slice %arg9[%dma_start3A_50, %dma_start3A_51] : memref<400x128xf32, #tpu.memory_space<vmem>> -> memref<320x128xf32, #tpu.memory_space<vmem>>
    %dma_start3A_53 = arith.constant 0 : i32
    %dma_start3A_54 = tpu.memref_slice %arg6[%dma_start3A_53] : memref<400xi32, #tpu.memory_space<vmem>> -> memref<320xi32, #tpu.memory_space<vmem>>
    %dma_start3A_55 = arith.constant 0 : i32
    %dma_start3A_56 = arith.constant 0 : i32
    %dma_start3A_57 = tpu.memref_slice %arg3[%dma_start3A_55, %dma_start3A_56] : memref<100000x128xf32, #tpu.memory_space<hbm>> -> memref<100000x128xf32, #tpu.memory_space<hbm>>
    tpu.enqueue_indirect_dma source(%dma_start3A_57 : memref<100000x128xf32, #tpu.memory_space<hbm>>) target(%dma_start3A_52 : memref<320x128xf32, #tpu.memory_space<vmem>>) offsets(%dma_start3A_54 : memref<320xi32, #tpu.memory_space<vmem>>) semaphore(%arg14 : memref<!tpu.dma_semaphore, #tpu.memory_space<semaphore_mem>>)
    %dma_wait3A_58 = arith.constant 0 : i32
    %dma_wait3A_59 = arith.constant 0 : i32
    %dma_wait3A_60 = tpu.memref_slice %arg8[%dma_wait3A_58, %dma_wait3A_59] : memref<400x128xf32, #tpu.memory_space<vmem>> -> memref<80x128xf32, #tpu.memory_space<vmem>>
    %dma_wait3A_61 = arith.constant 0 : i32
    %dma_wait3A_62 = tpu.memref_slice %arg5[%dma_wait3A_61] : memref<400xi32, #tpu.memory_space<vmem>> -> memref<80xi32, #tpu.memory_space<vmem>>
    %dma_wait3A_63 = arith.constant 0 : i32
    %dma_wait3A_64 = arith.constant 0 : i32
    %dma_wait3A_65 = tpu.memref_slice %arg3[%dma_wait3A_63, %dma_wait3A_64] : memref<100000x128xf32, #tpu.memory_space<hbm>> -> memref<100000x128xf32, #tpu.memory_space<hbm>>
    tpu.wait_indirect_dma semaphore(%arg13 : memref<!tpu.dma_semaphore, #tpu.memory_space<semaphore_mem>>) src(%dma_wait3A_65 : memref<100000x128xf32, #tpu.memory_space<hbm>>) dst(%dma_wait3A_60 : memref<80x128xf32, #tpu.memory_space<vmem>>)
    %add3A_66 = arith.constant 0 : i32
    %add3A_67 = arith.addi %mul3A_2, %add3A_66 : i32
    "tpu.region"() ({
      %run_scoped3A = tpu.sem_alloc : memref<!tpu.dma_semaphore, #tpu.memory_space<semaphore_mem>>
      %dma_start3A_165 = arith.constant 0 : i32
      %dma_start3A_166 = arith.constant 0 : i32
      %dma_start3A_167 = tpu.memref_slice %arg8[%dma_start3A_165, %dma_start3A_166] : memref<400x128xf32, #tpu.memory_space<vmem>> -> memref<80x128xf32, #tpu.memory_space<vmem>>
      %dma_start3A_168 = arith.constant 0 : i32
      %dma_start3A_169 = tpu.memref_slice %arg4[%add3A_67, %dma_start3A_168] : memref<100000x128xf32, #tpu.memory_space<hbm>> -> memref<80x128xf32, #tpu.memory_space<hbm>>
      %dma_start3A_170 = arith.constant 0 : i32
      %dma_start3A_171 = tpu.memref_slice %arg4[%add3A_67, %dma_start3A_170] : memref<100000x128xf32, #tpu.memory_space<hbm>> -> memref<80x128xf32, #tpu.memory_space<hbm>>
      %dma_start3A_172 = arith.constant 0 : i32
      %dma_start3A_173 = arith.constant 0 : i32
      %dma_start3A_174 = tpu.memref_slice %arg8[%dma_start3A_172, %dma_start3A_173] : memref<400x128xf32, #tpu.memory_space<vmem>> -> memref<80x128xf32, #tpu.memory_space<vmem>>
      tpu.enqueue_dma source(%dma_start3A_174 : memref<80x128xf32, #tpu.memory_space<vmem>>) target(%dma_start3A_171 : memref<80x128xf32, #tpu.memory_space<hbm>>) target_semaphore(%run_scoped3A : memref<!tpu.dma_semaphore, #tpu.memory_space<semaphore_mem>>)
      %dma_wait3A_175 = arith.constant 0 : i32
      %dma_wait3A_176 = arith.constant 0 : i32
      %dma_wait3A_177 = tpu.memref_slice %arg8[%dma_wait3A_175, %dma_wait3A_176] : memref<400x128xf32, #tpu.memory_space<vmem>> -> memref<80x128xf32, #tpu.memory_space<vmem>>
      %dma_wait3A_178 = arith.constant 0 : i32
      %dma_wait3A_179 = tpu.memref_slice %arg4[%add3A_67, %dma_wait3A_178] : memref<100000x128xf32, #tpu.memory_space<hbm>> -> memref<80x128xf32, #tpu.memory_space<hbm>>
      %dma_wait3A_180 = arith.constant 0 : i32
      %dma_wait3A_181 = tpu.memref_slice %arg4[%add3A_67, %dma_wait3A_180] : memref<100000x128xf32, #tpu.memory_space<hbm>> -> memref<80x128xf32, #tpu.memory_space<hbm>>
      %dma_wait3A_182 = arith.constant 0 : i32
      %dma_wait3A_183 = arith.constant 0 : i32
      %dma_wait3A_184 = tpu.memref_slice %arg8[%dma_wait3A_182, %dma_wait3A_183] : memref<400x128xf32, #tpu.memory_space<vmem>> -> memref<80x128xf32, #tpu.memory_space<vmem>>
      tpu.wait_dma2 semaphore(%run_scoped3A : memref<!tpu.dma_semaphore, #tpu.memory_space<semaphore_mem>>) src(%dma_wait3A_184 : memref<80x128xf32, #tpu.memory_space<vmem>>) dst(%dma_wait3A_181 : memref<80x128xf32, #tpu.memory_space<hbm>>)
      tpu.yield
    }) : () -> ()
    %convert_element_type3A = arith.extui %lt3A_3 : i1 to i32
    %cond3A = arith.constant 0 : i32
    %cond3A_68 = arith.cmpi ne, %convert_element_type3A, %cond3A : i32
    scf.if %cond3A_68 {
      %add3A_165 = arith.constant 800 : i32
      %add3A_166 = arith.addi %mul3A_2, %add3A_165 : i32
      %dma_start3A_167 = arith.constant 0 : i32
      %dma_start3A_168 = tpu.memref_slice %arg5[%dma_start3A_167] : memref<400xi32, #tpu.memory_space<vmem>> -> memref<400xi32, #tpu.memory_space<vmem>>
      %dma_start3A_169 = tpu.memref_slice %arg2[%add3A_166] : memref<100000xi32, #tpu.memory_space<hbm>> -> memref<400xi32, #tpu.memory_space<hbm>>
      %dma_start3A_170 = arith.constant 0 : i32
      %dma_start3A_171 = tpu.memref_slice %arg5[%dma_start3A_170] : memref<400xi32, #tpu.memory_space<vmem>> -> memref<400xi32, #tpu.memory_space<vmem>>
      %dma_start3A_172 = tpu.memref_slice %arg2[%add3A_166] : memref<100000xi32, #tpu.memory_space<hbm>> -> memref<400xi32, #tpu.memory_space<hbm>>
      tpu.enqueue_dma source(%dma_start3A_172 : memref<400xi32, #tpu.memory_space<hbm>>) target(%dma_start3A_171 : memref<400xi32, #tpu.memory_space<vmem>>) target_semaphore(%arg10 : memref<!tpu.dma_semaphore, #tpu.memory_space<semaphore_mem>>)
    } else {
    }
    %add3A_69 = arith.constant 400 : i32
    %add3A_70 = arith.addi %mul3A_2, %add3A_69 : i32
    %dma_wait3A_71 = arith.constant 0 : i32
    %dma_wait3A_72 = tpu.memref_slice %arg7[%dma_wait3A_71] : memref<400xi32, #tpu.memory_space<vmem>> -> memref<400xi32, #tpu.memory_space<vmem>>
    %dma_wait3A_73 = tpu.memref_slice %arg2[%add3A_70] : memref<100000xi32, #tpu.memory_space<hbm>> -> memref<400xi32, #tpu.memory_space<hbm>>
    %dma_wait3A_74 = arith.constant 0 : i32
    %dma_wait3A_75 = tpu.memref_slice %arg7[%dma_wait3A_74] : memref<400xi32, #tpu.memory_space<vmem>> -> memref<400xi32, #tpu.memory_space<vmem>>
    %dma_wait3A_76 = tpu.memref_slice %arg2[%add3A_70] : memref<100000xi32, #tpu.memory_space<hbm>> -> memref<400xi32, #tpu.memory_space<hbm>>
    tpu.wait_dma2 semaphore(%arg12 : memref<!tpu.dma_semaphore, #tpu.memory_space<semaphore_mem>>) src(%dma_wait3A_76 : memref<400xi32, #tpu.memory_space<hbm>>) dst(%dma_wait3A_75 : memref<400xi32, #tpu.memory_space<vmem>>)
    %dma_start3A_77 = arith.constant 0 : i32
    %dma_start3A_78 = arith.constant 0 : i32
    %dma_start3A_79 = tpu.memref_slice %arg8[%dma_start3A_77, %dma_start3A_78] : memref<400x128xf32, #tpu.memory_space<vmem>> -> memref<400x128xf32, #tpu.memory_space<vmem>>
    %dma_start3A_80 = arith.constant 0 : i32
    %dma_start3A_81 = tpu.memref_slice %arg7[%dma_start3A_80] : memref<400xi32, #tpu.memory_space<vmem>> -> memref<400xi32, #tpu.memory_space<vmem>>
    %dma_start3A_82 = arith.constant 0 : i32
    %dma_start3A_83 = arith.constant 0 : i32
    %dma_start3A_84 = tpu.memref_slice %arg3[%dma_start3A_82, %dma_start3A_83] : memref<100000x128xf32, #tpu.memory_space<hbm>> -> memref<100000x128xf32, #tpu.memory_space<hbm>>
    tpu.enqueue_indirect_dma source(%dma_start3A_84 : memref<100000x128xf32, #tpu.memory_space<hbm>>) target(%dma_start3A_79 : memref<400x128xf32, #tpu.memory_space<vmem>>) offsets(%dma_start3A_81 : memref<400xi32, #tpu.memory_space<vmem>>) semaphore(%arg13 : memref<!tpu.dma_semaphore, #tpu.memory_space<semaphore_mem>>)
    %dma_wait3A_85 = arith.constant 0 : i32
    %dma_wait3A_86 = arith.constant 0 : i32
    %dma_wait3A_87 = tpu.memref_slice %arg9[%dma_wait3A_85, %dma_wait3A_86] : memref<400x128xf32, #tpu.memory_space<vmem>> -> memref<320x128xf32, #tpu.memory_space<vmem>>
    %dma_wait3A_88 = arith.constant 0 : i32
    %dma_wait3A_89 = tpu.memref_slice %arg6[%dma_wait3A_88] : memref<400xi32, #tpu.memory_space<vmem>> -> memref<320xi32, #tpu.memory_space<vmem>>
    %dma_wait3A_90 = arith.constant 0 : i32
    %dma_wait3A_91 = arith.constant 0 : i32
    %dma_wait3A_92 = tpu.memref_slice %arg3[%dma_wait3A_90, %dma_wait3A_91] : memref<100000x128xf32, #tpu.memory_space<hbm>> -> memref<100000x128xf32, #tpu.memory_space<hbm>>
    tpu.wait_indirect_dma semaphore(%arg14 : memref<!tpu.dma_semaphore, #tpu.memory_space<semaphore_mem>>) src(%dma_wait3A_92 : memref<100000x128xf32, #tpu.memory_space<hbm>>) dst(%dma_wait3A_87 : memref<320x128xf32, #tpu.memory_space<vmem>>)
    %add3A_93 = arith.constant 80 : i32
    %add3A_94 = arith.addi %mul3A_2, %add3A_93 : i32
    "tpu.region"() ({
      %run_scoped3A = tpu.sem_alloc : memref<!tpu.dma_semaphore, #tpu.memory_space<semaphore_mem>>
      %dma_start3A_165 = arith.constant 0 : i32
      %dma_start3A_166 = arith.constant 0 : i32
      %dma_start3A_167 = tpu.memref_slice %arg9[%dma_start3A_165, %dma_start3A_166] : memref<400x128xf32, #tpu.memory_space<vmem>> -> memref<320x128xf32, #tpu.memory_space<vmem>>
      %dma_start3A_168 = arith.constant 0 : i32
      %dma_start3A_169 = tpu.memref_slice %arg4[%add3A_94, %dma_start3A_168] : memref<100000x128xf32, #tpu.memory_space<hbm>> -> memref<320x128xf32, #tpu.memory_space<hbm>>
      %dma_start3A_170 = arith.constant 0 : i32
      %dma_start3A_171 = tpu.memref_slice %arg4[%add3A_94, %dma_start3A_170] : memref<100000x128xf32, #tpu.memory_space<hbm>> -> memref<320x128xf32, #tpu.memory_space<hbm>>
      %dma_start3A_172 = arith.constant 0 : i32
      %dma_start3A_173 = arith.constant 0 : i32
      %dma_start3A_174 = tpu.memref_slice %arg9[%dma_start3A_172, %dma_start3A_173] : memref<400x128xf32, #tpu.memory_space<vmem>> -> memref<320x128xf32, #tpu.memory_space<vmem>>
      tpu.enqueue_dma source(%dma_start3A_174 : memref<320x128xf32, #tpu.memory_space<vmem>>) target(%dma_start3A_171 : memref<320x128xf32, #tpu.memory_space<hbm>>) target_semaphore(%run_scoped3A : memref<!tpu.dma_semaphore, #tpu.memory_space<semaphore_mem>>)
      %dma_wait3A_175 = arith.constant 0 : i32
      %dma_wait3A_176 = arith.constant 0 : i32
      %dma_wait3A_177 = tpu.memref_slice %arg9[%dma_wait3A_175, %dma_wait3A_176] : memref<400x128xf32, #tpu.memory_space<vmem>> -> memref<320x128xf32, #tpu.memory_space<vmem>>
      %dma_wait3A_178 = arith.constant 0 : i32
      %dma_wait3A_179 = tpu.memref_slice %arg4[%add3A_94, %dma_wait3A_178] : memref<100000x128xf32, #tpu.memory_space<hbm>> -> memref<320x128xf32, #tpu.memory_space<hbm>>
      %dma_wait3A_180 = arith.constant 0 : i32
      %dma_wait3A_181 = tpu.memref_slice %arg4[%add3A_94, %dma_wait3A_180] : memref<100000x128xf32, #tpu.memory_space<hbm>> -> memref<320x128xf32, #tpu.memory_space<hbm>>
      %dma_wait3A_182 = arith.constant 0 : i32
      %dma_wait3A_183 = arith.constant 0 : i32
      %dma_wait3A_184 = tpu.memref_slice %arg9[%dma_wait3A_182, %dma_wait3A_183] : memref<400x128xf32, #tpu.memory_space<vmem>> -> memref<320x128xf32, #tpu.memory_space<vmem>>
      tpu.wait_dma2 semaphore(%run_scoped3A : memref<!tpu.dma_semaphore, #tpu.memory_space<semaphore_mem>>) src(%dma_wait3A_184 : memref<320x128xf32, #tpu.memory_space<vmem>>) dst(%dma_wait3A_181 : memref<320x128xf32, #tpu.memory_space<hbm>>)
      tpu.yield
    }) : () -> ()
    %convert_element_type3A_95 = arith.extui %lt3A_3 : i1 to i32
    %cond3A_96 = arith.constant 0 : i32
    %cond3A_97 = arith.cmpi ne, %convert_element_type3A_95, %cond3A_96 : i32
    scf.if %cond3A_97 {
      %add3A_165 = arith.constant 1200 : i32
      %add3A_166 = arith.addi %mul3A_2, %add3A_165 : i32
      %dma_start3A_167 = arith.constant 0 : i32
      %dma_start3A_168 = tpu.memref_slice %arg6[%dma_start3A_167] : memref<400xi32, #tpu.memory_space<vmem>> -> memref<400xi32, #tpu.memory_space<vmem>>
      %dma_start3A_169 = tpu.memref_slice %arg2[%add3A_166] : memref<100000xi32, #tpu.memory_space<hbm>> -> memref<400xi32, #tpu.memory_space<hbm>>
      %dma_start3A_170 = arith.constant 0 : i32
      %dma_start3A_171 = tpu.memref_slice %arg6[%dma_start3A_170] : memref<400xi32, #tpu.memory_space<vmem>> -> memref<400xi32, #tpu.memory_space<vmem>>
      %dma_start3A_172 = tpu.memref_slice %arg2[%add3A_166] : memref<100000xi32, #tpu.memory_space<hbm>> -> memref<400xi32, #tpu.memory_space<hbm>>
      tpu.enqueue_dma source(%dma_start3A_172 : memref<400xi32, #tpu.memory_space<hbm>>) target(%dma_start3A_171 : memref<400xi32, #tpu.memory_space<vmem>>) target_semaphore(%arg11 : memref<!tpu.dma_semaphore, #tpu.memory_space<semaphore_mem>>)
    } else {
    }
    %convert_element_type3A_98 = arith.extui %lt3A_3 : i1 to i32
    %cond3A_99 = arith.constant 0 : i32
    %cond3A_100 = arith.cmpi ne, %convert_element_type3A_98, %cond3A_99 : i32
    scf.if %cond3A_100 {
      %add3A_165 = arith.constant 800 : i32
      %add3A_166 = arith.addi %mul3A_2, %add3A_165 : i32
      %dma_wait3A_167 = arith.constant 0 : i32
      %dma_wait3A_168 = tpu.memref_slice %arg5[%dma_wait3A_167] : memref<400xi32, #tpu.memory_space<vmem>> -> memref<400xi32, #tpu.memory_space<vmem>>
      %dma_wait3A_169 = tpu.memref_slice %arg2[%add3A_166] : memref<100000xi32, #tpu.memory_space<hbm>> -> memref<400xi32, #tpu.memory_space<hbm>>
      %dma_wait3A_170 = arith.constant 0 : i32
      %dma_wait3A_171 = tpu.memref_slice %arg5[%dma_wait3A_170] : memref<400xi32, #tpu.memory_space<vmem>> -> memref<400xi32, #tpu.memory_space<vmem>>
      %dma_wait3A_172 = tpu.memref_slice %arg2[%add3A_166] : memref<100000xi32, #tpu.memory_space<hbm>> -> memref<400xi32, #tpu.memory_space<hbm>>
      tpu.wait_dma2 semaphore(%arg10 : memref<!tpu.dma_semaphore, #tpu.memory_space<semaphore_mem>>) src(%dma_wait3A_172 : memref<400xi32, #tpu.memory_space<hbm>>) dst(%dma_wait3A_171 : memref<400xi32, #tpu.memory_space<vmem>>)
      %dma_start3A_173 = arith.constant 0 : i32
      %dma_start3A_174 = arith.constant 0 : i32
      %dma_start3A_175 = tpu.memref_slice %arg9[%dma_start3A_173, %dma_start3A_174] : memref<400x128xf32, #tpu.memory_space<vmem>> -> memref<400x128xf32, #tpu.memory_space<vmem>>
      %dma_start3A_176 = arith.constant 0 : i32
      %dma_start3A_177 = tpu.memref_slice %arg5[%dma_start3A_176] : memref<400xi32, #tpu.memory_space<vmem>> -> memref<400xi32, #tpu.memory_space<vmem>>
      %dma_start3A_178 = arith.constant 0 : i32
      %dma_start3A_179 = arith.constant 0 : i32
      %dma_start3A_180 = tpu.memref_slice %arg3[%dma_start3A_178, %dma_start3A_179] : memref<100000x128xf32, #tpu.memory_space<hbm>> -> memref<100000x128xf32, #tpu.memory_space<hbm>>
      tpu.enqueue_indirect_dma source(%dma_start3A_180 : memref<100000x128xf32, #tpu.memory_space<hbm>>) target(%dma_start3A_175 : memref<400x128xf32, #tpu.memory_space<vmem>>) offsets(%dma_start3A_177 : memref<400xi32, #tpu.memory_space<vmem>>) semaphore(%arg14 : memref<!tpu.dma_semaphore, #tpu.memory_space<semaphore_mem>>)
    } else {
    }
    %dma_wait3A_101 = arith.constant 0 : i32
    %dma_wait3A_102 = arith.constant 0 : i32
    %dma_wait3A_103 = tpu.memref_slice %arg8[%dma_wait3A_101, %dma_wait3A_102] : memref<400x128xf32, #tpu.memory_space<vmem>> -> memref<400x128xf32, #tpu.memory_space<vmem>>
    %dma_wait3A_104 = arith.constant 0 : i32
    %dma_wait3A_105 = tpu.memref_slice %arg7[%dma_wait3A_104] : memref<400xi32, #tpu.memory_space<vmem>> -> memref<400xi32, #tpu.memory_space<vmem>>
    %dma_wait3A_106 = arith.constant 0 : i32
    %dma_wait3A_107 = arith.constant 0 : i32
    %dma_wait3A_108 = tpu.memref_slice %arg3[%dma_wait3A_106, %dma_wait3A_107] : memref<100000x128xf32, #tpu.memory_space<hbm>> -> memref<100000x128xf32, #tpu.memory_space<hbm>>
    tpu.wait_indirect_dma semaphore(%arg13 : memref<!tpu.dma_semaphore, #tpu.memory_space<semaphore_mem>>) src(%dma_wait3A_108 : memref<100000x128xf32, #tpu.memory_space<hbm>>) dst(%dma_wait3A_103 : memref<400x128xf32, #tpu.memory_space<vmem>>)
    %add3A_109 = arith.constant 400 : i32
    %add3A_110 = arith.addi %mul3A_2, %add3A_109 : i32
    "tpu.region"() ({
      %run_scoped3A = tpu.sem_alloc : memref<!tpu.dma_semaphore, #tpu.memory_space<semaphore_mem>>
      %dma_start3A_165 = arith.constant 0 : i32
      %dma_start3A_166 = arith.constant 0 : i32
      %dma_start3A_167 = tpu.memref_slice %arg8[%dma_start3A_165, %dma_start3A_166] : memref<400x128xf32, #tpu.memory_space<vmem>> -> memref<400x128xf32, #tpu.memory_space<vmem>>
      %dma_start3A_168 = arith.constant 0 : i32
      %dma_start3A_169 = tpu.memref_slice %arg4[%add3A_110, %dma_start3A_168] : memref<100000x128xf32, #tpu.memory_space<hbm>> -> memref<400x128xf32, #tpu.memory_space<hbm>>
      %dma_start3A_170 = arith.constant 0 : i32
      %dma_start3A_171 = tpu.memref_slice %arg4[%add3A_110, %dma_start3A_170] : memref<100000x128xf32, #tpu.memory_space<hbm>> -> memref<400x128xf32, #tpu.memory_space<hbm>>
      %dma_start3A_172 = arith.constant 0 : i32
      %dma_start3A_173 = arith.constant 0 : i32
      %dma_start3A_174 = tpu.memref_slice %arg8[%dma_start3A_172, %dma_start3A_173] : memref<400x128xf32, #tpu.memory_space<vmem>> -> memref<400x128xf32, #tpu.memory_space<vmem>>
      tpu.enqueue_dma source(%dma_start3A_174 : memref<400x128xf32, #tpu.memory_space<vmem>>) target(%dma_start3A_171 : memref<400x128xf32, #tpu.memory_space<hbm>>) target_semaphore(%run_scoped3A : memref<!tpu.dma_semaphore, #tpu.memory_space<semaphore_mem>>)
      %dma_wait3A_175 = arith.constant 0 : i32
      %dma_wait3A_176 = arith.constant 0 : i32
      %dma_wait3A_177 = tpu.memref_slice %arg8[%dma_wait3A_175, %dma_wait3A_176] : memref<400x128xf32, #tpu.memory_space<vmem>> -> memref<400x128xf32, #tpu.memory_space<vmem>>
      %dma_wait3A_178 = arith.constant 0 : i32
      %dma_wait3A_179 = tpu.memref_slice %arg4[%add3A_110, %dma_wait3A_178] : memref<100000x128xf32, #tpu.memory_space<hbm>> -> memref<400x128xf32, #tpu.memory_space<hbm>>
      %dma_wait3A_180 = arith.constant 0 : i32
      %dma_wait3A_181 = tpu.memref_slice %arg4[%add3A_110, %dma_wait3A_180] : memref<100000x128xf32, #tpu.memory_space<hbm>> -> memref<400x128xf32, #tpu.memory_space<hbm>>
      %dma_wait3A_182 = arith.constant 0 : i32
      %dma_wait3A_183 = arith.constant 0 : i32
      %dma_wait3A_184 = tpu.memref_slice %arg8[%dma_wait3A_182, %dma_wait3A_183] : memref<400x128xf32, #tpu.memory_space<vmem>> -> memref<400x128xf32, #tpu.memory_space<vmem>>
      tpu.wait_dma2 semaphore(%run_scoped3A : memref<!tpu.dma_semaphore, #tpu.memory_space<semaphore_mem>>) src(%dma_wait3A_184 : memref<400x128xf32, #tpu.memory_space<vmem>>) dst(%dma_wait3A_181 : memref<400x128xf32, #tpu.memory_space<hbm>>)
      tpu.yield
    }) : () -> ()
    %convert_element_type3A_111 = arith.extui %lt3A_3 : i1 to i32
    %cond3A_112 = arith.constant 0 : i32
    %cond3A_113 = arith.cmpi ne, %convert_element_type3A_111, %cond3A_112 : i32
    scf.if %cond3A_113 {
      %add3A_165 = arith.constant 1600 : i32
      %add3A_166 = arith.addi %mul3A_2, %add3A_165 : i32
      %dma_start3A_167 = arith.constant 0 : i32
      %dma_start3A_168 = tpu.memref_slice %arg7[%dma_start3A_167] : memref<400xi32, #tpu.memory_space<vmem>> -> memref<400xi32, #tpu.memory_space<vmem>>
      %dma_start3A_169 = tpu.memref_slice %arg2[%add3A_166] : memref<100000xi32, #tpu.memory_space<hbm>> -> memref<400xi32, #tpu.memory_space<hbm>>
      %dma_start3A_170 = arith.constant 0 : i32
      %dma_start3A_171 = tpu.memref_slice %arg7[%dma_start3A_170] : memref<400xi32, #tpu.memory_space<vmem>> -> memref<400xi32, #tpu.memory_space<vmem>>
      %dma_start3A_172 = tpu.memref_slice %arg2[%add3A_166] : memref<100000xi32, #tpu.memory_space<hbm>> -> memref<400xi32, #tpu.memory_space<hbm>>
      tpu.enqueue_dma source(%dma_start3A_172 : memref<400xi32, #tpu.memory_space<hbm>>) target(%dma_start3A_171 : memref<400xi32, #tpu.memory_space<vmem>>) target_semaphore(%arg12 : memref<!tpu.dma_semaphore, #tpu.memory_space<semaphore_mem>>)
    } else {
    }
    %convert_element_type3A_114 = arith.extui %lt3A_3 : i1 to i32
    %cond3A_115 = arith.constant 0 : i32
    %cond3A_116 = arith.cmpi ne, %convert_element_type3A_114, %cond3A_115 : i32
    scf.if %cond3A_116 {
      %add3A_165 = arith.constant 1200 : i32
      %add3A_166 = arith.addi %mul3A_2, %add3A_165 : i32
      %dma_wait3A_167 = arith.constant 0 : i32
      %dma_wait3A_168 = tpu.memref_slice %arg6[%dma_wait3A_167] : memref<400xi32, #tpu.memory_space<vmem>> -> memref<400xi32, #tpu.memory_space<vmem>>
      %dma_wait3A_169 = tpu.memref_slice %arg2[%add3A_166] : memref<100000xi32, #tpu.memory_space<hbm>> -> memref<400xi32, #tpu.memory_space<hbm>>
      %dma_wait3A_170 = arith.constant 0 : i32
      %dma_wait3A_171 = tpu.memref_slice %arg6[%dma_wait3A_170] : memref<400xi32, #tpu.memory_space<vmem>> -> memref<400xi32, #tpu.memory_space<vmem>>
      %dma_wait3A_172 = tpu.memref_slice %arg2[%add3A_166] : memref<100000xi32, #tpu.memory_space<hbm>> -> memref<400xi32, #tpu.memory_space<hbm>>
      tpu.wait_dma2 semaphore(%arg11 : memref<!tpu.dma_semaphore, #tpu.memory_space<semaphore_mem>>) src(%dma_wait3A_172 : memref<400xi32, #tpu.memory_space<hbm>>) dst(%dma_wait3A_171 : memref<400xi32, #tpu.memory_space<vmem>>)
      %dma_start3A_173 = arith.constant 0 : i32
      %dma_start3A_174 = arith.constant 0 : i32
      %dma_start3A_175 = tpu.memref_slice %arg8[%dma_start3A_173, %dma_start3A_174] : memref<400x128xf32, #tpu.memory_space<vmem>> -> memref<400x128xf32, #tpu.memory_space<vmem>>
      %dma_start3A_176 = arith.constant 0 : i32
      %dma_start3A_177 = tpu.memref_slice %arg6[%dma_start3A_176] : memref<400xi32, #tpu.memory_space<vmem>> -> memref<400xi32, #tpu.memory_space<vmem>>
      %dma_start3A_178 = arith.constant 0 : i32
      %dma_start3A_179 = arith.constant 0 : i32
      %dma_start3A_180 = tpu.memref_slice %arg3[%dma_start3A_178, %dma_start3A_179] : memref<100000x128xf32, #tpu.memory_space<hbm>> -> memref<100000x128xf32, #tpu.memory_space<hbm>>
      tpu.enqueue_indirect_dma source(%dma_start3A_180 : memref<100000x128xf32, #tpu.memory_space<hbm>>) target(%dma_start3A_175 : memref<400x128xf32, #tpu.memory_space<vmem>>) offsets(%dma_start3A_177 : memref<400xi32, #tpu.memory_space<vmem>>) semaphore(%arg13 : memref<!tpu.dma_semaphore, #tpu.memory_space<semaphore_mem>>)
    } else {
    }
    %convert_element_type3A_117 = arith.extui %lt3A_3 : i1 to i32
    %cond3A_118 = arith.constant 0 : i32
    %cond3A_119 = arith.cmpi ne, %convert_element_type3A_117, %cond3A_118 : i32
    scf.if %cond3A_119 {
      %dma_wait3A_165 = arith.constant 0 : i32
      %dma_wait3A_166 = arith.constant 0 : i32
      %dma_wait3A_167 = tpu.memref_slice %arg9[%dma_wait3A_165, %dma_wait3A_166] : memref<400x128xf32, #tpu.memory_space<vmem>> -> memref<400x128xf32, #tpu.memory_space<vmem>>
      %dma_wait3A_168 = arith.constant 0 : i32
      %dma_wait3A_169 = tpu.memref_slice %arg5[%dma_wait3A_168] : memref<400xi32, #tpu.memory_space<vmem>> -> memref<400xi32, #tpu.memory_space<vmem>>
      %dma_wait3A_170 = arith.constant 0 : i32
      %dma_wait3A_171 = arith.constant 0 : i32
      %dma_wait3A_172 = tpu.memref_slice %arg3[%dma_wait3A_170, %dma_wait3A_171] : memref<100000x128xf32, #tpu.memory_space<hbm>> -> memref<100000x128xf32, #tpu.memory_space<hbm>>
      tpu.wait_indirect_dma semaphore(%arg14 : memref<!tpu.dma_semaphore, #tpu.memory_space<semaphore_mem>>) src(%dma_wait3A_172 : memref<100000x128xf32, #tpu.memory_space<hbm>>) dst(%dma_wait3A_167 : memref<400x128xf32, #tpu.memory_space<vmem>>)
      %add3A_173 = arith.constant 800 : i32
      %add3A_174 = arith.addi %mul3A_2, %add3A_173 : i32
      "tpu.region"() ({
        %run_scoped3A = tpu.sem_alloc : memref<!tpu.dma_semaphore, #tpu.memory_space<semaphore_mem>>
        %dma_start3A_175 = arith.constant 0 : i32
        %dma_start3A_176 = arith.constant 0 : i32
        %dma_start3A_177 = tpu.memref_slice %arg9[%dma_start3A_175, %dma_start3A_176] : memref<400x128xf32, #tpu.memory_space<vmem>> -> memref<400x128xf32, #tpu.memory_space<vmem>>
        %dma_start3A_178 = arith.constant 0 : i32
        %dma_start3A_179 = tpu.memref_slice %arg4[%add3A_174, %dma_start3A_178] : memref<100000x128xf32, #tpu.memory_space<hbm>> -> memref<400x128xf32, #tpu.memory_space<hbm>>
        %dma_start3A_180 = arith.constant 0 : i32
        %dma_start3A_181 = tpu.memref_slice %arg4[%add3A_174, %dma_start3A_180] : memref<100000x128xf32, #tpu.memory_space<hbm>> -> memref<400x128xf32, #tpu.memory_space<hbm>>
        %dma_start3A_182 = arith.constant 0 : i32
        %dma_start3A_183 = arith.constant 0 : i32
        %dma_start3A_184 = tpu.memref_slice %arg9[%dma_start3A_182, %dma_start3A_183] : memref<400x128xf32, #tpu.memory_space<vmem>> -> memref<400x128xf32, #tpu.memory_space<vmem>>
        tpu.enqueue_dma source(%dma_start3A_184 : memref<400x128xf32, #tpu.memory_space<vmem>>) target(%dma_start3A_181 : memref<400x128xf32, #tpu.memory_space<hbm>>) target_semaphore(%run_scoped3A : memref<!tpu.dma_semaphore, #tpu.memory_space<semaphore_mem>>)
        %dma_wait3A_185 = arith.constant 0 : i32
        %dma_wait3A_186 = arith.constant 0 : i32
        %dma_wait3A_187 = tpu.memref_slice %arg9[%dma_wait3A_185, %dma_wait3A_186] : memref<400x128xf32, #tpu.memory_space<vmem>> -> memref<400x128xf32, #tpu.memory_space<vmem>>
        %dma_wait3A_188 = arith.constant 0 : i32
        %dma_wait3A_189 = tpu.memref_slice %arg4[%add3A_174, %dma_wait3A_188] : memref<100000x128xf32, #tpu.memory_space<hbm>> -> memref<400x128xf32, #tpu.memory_space<hbm>>
        %dma_wait3A_190 = arith.constant 0 : i32
        %dma_wait3A_191 = tpu.memref_slice %arg4[%add3A_174, %dma_wait3A_190] : memref<100000x128xf32, #tpu.memory_space<hbm>> -> memref<400x128xf32, #tpu.memory_space<hbm>>
        %dma_wait3A_192 = arith.constant 0 : i32
        %dma_wait3A_193 = arith.constant 0 : i32
        %dma_wait3A_194 = tpu.memref_slice %arg9[%dma_wait3A_192, %dma_wait3A_193] : memref<400x128xf32, #tpu.memory_space<vmem>> -> memref<400x128xf32, #tpu.memory_space<vmem>>
        tpu.wait_dma2 semaphore(%run_scoped3A : memref<!tpu.dma_semaphore, #tpu.memory_space<semaphore_mem>>) src(%dma_wait3A_194 : memref<400x128xf32, #tpu.memory_space<vmem>>) dst(%dma_wait3A_191 : memref<400x128xf32, #tpu.memory_space<hbm>>)
        tpu.yield
      }) : () -> ()
    } else {
    }
    %convert_element_type3A_120 = arith.extui %lt3A_3 : i1 to i32
    %cond3A_121 = arith.constant 0 : i32
    %cond3A_122 = arith.cmpi ne, %convert_element_type3A_120, %cond3A_121 : i32
    scf.if %cond3A_122 {
      %add3A_165 = arith.constant 2000 : i32
      %add3A_166 = arith.addi %mul3A_2, %add3A_165 : i32
      %dma_start3A_167 = arith.constant 0 : i32
      %dma_start3A_168 = tpu.memref_slice %arg5[%dma_start3A_167] : memref<400xi32, #tpu.memory_space<vmem>> -> memref<400xi32, #tpu.memory_space<vmem>>
      %dma_start3A_169 = tpu.memref_slice %arg2[%add3A_166] : memref<100000xi32, #tpu.memory_space<hbm>> -> memref<400xi32, #tpu.memory_space<hbm>>
      %dma_start3A_170 = arith.constant 0 : i32
      %dma_start3A_171 = tpu.memref_slice %arg5[%dma_start3A_170] : memref<400xi32, #tpu.memory_space<vmem>> -> memref<400xi32, #tpu.memory_space<vmem>>
      %dma_start3A_172 = tpu.memref_slice %arg2[%add3A_166] : memref<100000xi32, #tpu.memory_space<hbm>> -> memref<400xi32, #tpu.memory_space<hbm>>
      tpu.enqueue_dma source(%dma_start3A_172 : memref<400xi32, #tpu.memory_space<hbm>>) target(%dma_start3A_171 : memref<400xi32, #tpu.memory_space<vmem>>) target_semaphore(%arg10 : memref<!tpu.dma_semaphore, #tpu.memory_space<semaphore_mem>>)
    } else {
    }
    %convert_element_type3A_123 = arith.extui %lt3A_3 : i1 to i32
    %cond3A_124 = arith.constant 0 : i32
    %cond3A_125 = arith.cmpi ne, %convert_element_type3A_123, %cond3A_124 : i32
    scf.if %cond3A_125 {
      %add3A_165 = arith.constant 1600 : i32
      %add3A_166 = arith.addi %mul3A_2, %add3A_165 : i32
      %dma_wait3A_167 = arith.constant 0 : i32
      %dma_wait3A_168 = tpu.memref_slice %arg7[%dma_wait3A_167] : memref<400xi32, #tpu.memory_space<vmem>> -> memref<400xi32, #tpu.memory_space<vmem>>
      %dma_wait3A_169 = tpu.memref_slice %arg2[%add3A_166] : memref<100000xi32, #tpu.memory_space<hbm>> -> memref<400xi32, #tpu.memory_space<hbm>>
      %dma_wait3A_170 = arith.constant 0 : i32
      %dma_wait3A_171 = tpu.memref_slice %arg7[%dma_wait3A_170] : memref<400xi32, #tpu.memory_space<vmem>> -> memref<400xi32, #tpu.memory_space<vmem>>
      %dma_wait3A_172 = tpu.memref_slice %arg2[%add3A_166] : memref<100000xi32, #tpu.memory_space<hbm>> -> memref<400xi32, #tpu.memory_space<hbm>>
      tpu.wait_dma2 semaphore(%arg12 : memref<!tpu.dma_semaphore, #tpu.memory_space<semaphore_mem>>) src(%dma_wait3A_172 : memref<400xi32, #tpu.memory_space<hbm>>) dst(%dma_wait3A_171 : memref<400xi32, #tpu.memory_space<vmem>>)
      %dma_start3A_173 = arith.constant 0 : i32
      %dma_start3A_174 = arith.constant 0 : i32
      %dma_start3A_175 = tpu.memref_slice %arg9[%dma_start3A_173, %dma_start3A_174] : memref<400x128xf32, #tpu.memory_space<vmem>> -> memref<400x128xf32, #tpu.memory_space<vmem>>
      %dma_start3A_176 = arith.constant 0 : i32
      %dma_start3A_177 = tpu.memref_slice %arg7[%dma_start3A_176] : memref<400xi32, #tpu.memory_space<vmem>> -> memref<400xi32, #tpu.memory_space<vmem>>
      %dma_start3A_178 = arith.constant 0 : i32
      %dma_start3A_179 = arith.constant 0 : i32
      %dma_start3A_180 = tpu.memref_slice %arg3[%dma_start3A_178, %dma_start3A_179] : memref<100000x128xf32, #tpu.memory_space<hbm>> -> memref<100000x128xf32, #tpu.memory_space<hbm>>
      tpu.enqueue_indirect_dma source(%dma_start3A_180 : memref<100000x128xf32, #tpu.memory_space<hbm>>) target(%dma_start3A_175 : memref<400x128xf32, #tpu.memory_space<vmem>>) offsets(%dma_start3A_177 : memref<400xi32, #tpu.memory_space<vmem>>) semaphore(%arg14 : memref<!tpu.dma_semaphore, #tpu.memory_space<semaphore_mem>>)
    } else {
    }
    %convert_element_type3A_126 = arith.extui %lt3A_3 : i1 to i32
    %cond3A_127 = arith.constant 0 : i32
    %cond3A_128 = arith.cmpi ne, %convert_element_type3A_126, %cond3A_127 : i32
    scf.if %cond3A_128 {
      %dma_wait3A_165 = arith.constant 0 : i32
      %dma_wait3A_166 = arith.constant 0 : i32
      %dma_wait3A_167 = tpu.memref_slice %arg8[%dma_wait3A_165, %dma_wait3A_166] : memref<400x128xf32, #tpu.memory_space<vmem>> -> memref<400x128xf32, #tpu.memory_space<vmem>>
      %dma_wait3A_168 = arith.constant 0 : i32
      %dma_wait3A_169 = tpu.memref_slice %arg6[%dma_wait3A_168] : memref<400xi32, #tpu.memory_space<vmem>> -> memref<400xi32, #tpu.memory_space<vmem>>
      %dma_wait3A_170 = arith.constant 0 : i32
      %dma_wait3A_171 = arith.constant 0 : i32
      %dma_wait3A_172 = tpu.memref_slice %arg3[%dma_wait3A_170, %dma_wait3A_171] : memref<100000x128xf32, #tpu.memory_space<hbm>> -> memref<100000x128xf32, #tpu.memory_space<hbm>>
      tpu.wait_indirect_dma semaphore(%arg13 : memref<!tpu.dma_semaphore, #tpu.memory_space<semaphore_mem>>) src(%dma_wait3A_172 : memref<100000x128xf32, #tpu.memory_space<hbm>>) dst(%dma_wait3A_167 : memref<400x128xf32, #tpu.memory_space<vmem>>)
      %add3A_173 = arith.constant 1200 : i32
      %add3A_174 = arith.addi %mul3A_2, %add3A_173 : i32
      "tpu.region"() ({
        %run_scoped3A = tpu.sem_alloc : memref<!tpu.dma_semaphore, #tpu.memory_space<semaphore_mem>>
        %dma_start3A_175 = arith.constant 0 : i32
        %dma_start3A_176 = arith.constant 0 : i32
        %dma_start3A_177 = tpu.memref_slice %arg8[%dma_start3A_175, %dma_start3A_176] : memref<400x128xf32, #tpu.memory_space<vmem>> -> memref<400x128xf32, #tpu.memory_space<vmem>>
        %dma_start3A_178 = arith.constant 0 : i32
        %dma_start3A_179 = tpu.memref_slice %arg4[%add3A_174, %dma_start3A_178] : memref<100000x128xf32, #tpu.memory_space<hbm>> -> memref<400x128xf32, #tpu.memory_space<hbm>>
        %dma_start3A_180 = arith.constant 0 : i32
        %dma_start3A_181 = tpu.memref_slice %arg4[%add3A_174, %dma_start3A_180] : memref<100000x128xf32, #tpu.memory_space<hbm>> -> memref<400x128xf32, #tpu.memory_space<hbm>>
        %dma_start3A_182 = arith.constant 0 : i32
        %dma_start3A_183 = arith.constant 0 : i32
        %dma_start3A_184 = tpu.memref_slice %arg8[%dma_start3A_182, %dma_start3A_183] : memref<400x128xf32, #tpu.memory_space<vmem>> -> memref<400x128xf32, #tpu.memory_space<vmem>>
        tpu.enqueue_dma source(%dma_start3A_184 : memref<400x128xf32, #tpu.memory_space<vmem>>) target(%dma_start3A_181 : memref<400x128xf32, #tpu.memory_space<hbm>>) target_semaphore(%run_scoped3A : memref<!tpu.dma_semaphore, #tpu.memory_space<semaphore_mem>>)
        %dma_wait3A_185 = arith.constant 0 : i32
        %dma_wait3A_186 = arith.constant 0 : i32
        %dma_wait3A_187 = tpu.memref_slice %arg8[%dma_wait3A_185, %dma_wait3A_186] : memref<400x128xf32, #tpu.memory_space<vmem>> -> memref<400x128xf32, #tpu.memory_space<vmem>>
        %dma_wait3A_188 = arith.constant 0 : i32
        %dma_wait3A_189 = tpu.memref_slice %arg4[%add3A_174, %dma_wait3A_188] : memref<100000x128xf32, #tpu.memory_space<hbm>> -> memref<400x128xf32, #tpu.memory_space<hbm>>
        %dma_wait3A_190 = arith.constant 0 : i32
        %dma_wait3A_191 = tpu.memref_slice %arg4[%add3A_174, %dma_wait3A_190] : memref<100000x128xf32, #tpu.memory_space<hbm>> -> memref<400x128xf32, #tpu.memory_space<hbm>>
        %dma_wait3A_192 = arith.constant 0 : i32
        %dma_wait3A_193 = arith.constant 0 : i32
        %dma_wait3A_194 = tpu.memref_slice %arg8[%dma_wait3A_192, %dma_wait3A_193] : memref<400x128xf32, #tpu.memory_space<vmem>> -> memref<400x128xf32, #tpu.memory_space<vmem>>
        tpu.wait_dma2 semaphore(%run_scoped3A : memref<!tpu.dma_semaphore, #tpu.memory_space<semaphore_mem>>) src(%dma_wait3A_194 : memref<400x128xf32, #tpu.memory_space<vmem>>) dst(%dma_wait3A_191 : memref<400x128xf32, #tpu.memory_space<hbm>>)
        tpu.yield
      }) : () -> ()
    } else {
    }
    %convert_element_type3A_129 = arith.extui %lt3A_3 : i1 to i32
    %cond3A_130 = arith.constant 0 : i32
    %cond3A_131 = arith.cmpi ne, %convert_element_type3A_129, %cond3A_130 : i32
    scf.if %cond3A_131 {
      %add3A_165 = arith.constant 2400 : i32
      %add3A_166 = arith.addi %mul3A_2, %add3A_165 : i32
      %dma_start3A_167 = arith.constant 0 : i32
      %dma_start3A_168 = tpu.memref_slice %arg6[%dma_start3A_167] : memref<400xi32, #tpu.memory_space<vmem>> -> memref<400xi32, #tpu.memory_space<vmem>>
      %dma_start3A_169 = tpu.memref_slice %arg2[%add3A_166] : memref<100000xi32, #tpu.memory_space<hbm>> -> memref<400xi32, #tpu.memory_space<hbm>>
      %dma_start3A_170 = arith.constant 0 : i32
      %dma_start3A_171 = tpu.memref_slice %arg6[%dma_start3A_170] : memref<400xi32, #tpu.memory_space<vmem>> -> memref<400xi32, #tpu.memory_space<vmem>>
      %dma_start3A_172 = tpu.memref_slice %arg2[%add3A_166] : memref<100000xi32, #tpu.memory_space<hbm>> -> memref<400xi32, #tpu.memory_space<hbm>>
      tpu.enqueue_dma source(%dma_start3A_172 : memref<400xi32, #tpu.memory_space<hbm>>) target(%dma_start3A_171 : memref<400xi32, #tpu.memory_space<vmem>>) target_semaphore(%arg11 : memref<!tpu.dma_semaphore, #tpu.memory_space<semaphore_mem>>)
    } else {
    }
    %convert_element_type3A_132 = arith.extui %lt3A_3 : i1 to i32
    %cond3A_133 = arith.constant 0 : i32
    %cond3A_134 = arith.cmpi ne, %convert_element_type3A_132, %cond3A_133 : i32
    scf.if %cond3A_134 {
      %add3A_165 = arith.constant 2000 : i32
      %add3A_166 = arith.addi %mul3A_2, %add3A_165 : i32
      %dma_wait3A_167 = arith.constant 0 : i32
      %dma_wait3A_168 = tpu.memref_slice %arg5[%dma_wait3A_167] : memref<400xi32, #tpu.memory_space<vmem>> -> memref<400xi32, #tpu.memory_space<vmem>>
      %dma_wait3A_169 = tpu.memref_slice %arg2[%add3A_166] : memref<100000xi32, #tpu.memory_space<hbm>> -> memref<400xi32, #tpu.memory_space<hbm>>
      %dma_wait3A_170 = arith.constant 0 : i32
      %dma_wait3A_171 = tpu.memref_slice %arg5[%dma_wait3A_170] : memref<400xi32, #tpu.memory_space<vmem>> -> memref<400xi32, #tpu.memory_space<vmem>>
      %dma_wait3A_172 = tpu.memref_slice %arg2[%add3A_166] : memref<100000xi32, #tpu.memory_space<hbm>> -> memref<400xi32, #tpu.memory_space<hbm>>
      tpu.wait_dma2 semaphore(%arg10 : memref<!tpu.dma_semaphore, #tpu.memory_space<semaphore_mem>>) src(%dma_wait3A_172 : memref<400xi32, #tpu.memory_space<hbm>>) dst(%dma_wait3A_171 : memref<400xi32, #tpu.memory_space<vmem>>)
      %dma_start3A_173 = arith.constant 0 : i32
      %dma_start3A_174 = arith.constant 0 : i32
      %dma_start3A_175 = tpu.memref_slice %arg8[%dma_start3A_173, %dma_start3A_174] : memref<400x128xf32, #tpu.memory_space<vmem>> -> memref<400x128xf32, #tpu.memory_space<vmem>>
      %dma_start3A_176 = arith.constant 0 : i32
      %dma_start3A_177 = tpu.memref_slice %arg5[%dma_start3A_176] : memref<400xi32, #tpu.memory_space<vmem>> -> memref<400xi32, #tpu.memory_space<vmem>>
      %dma_start3A_178 = arith.constant 0 : i32
      %dma_start3A_179 = arith.constant 0 : i32
      %dma_start3A_180 = tpu.memref_slice %arg3[%dma_start3A_178, %dma_start3A_179] : memref<100000x128xf32, #tpu.memory_space<hbm>> -> memref<100000x128xf32, #tpu.memory_space<hbm>>
      tpu.enqueue_indirect_dma source(%dma_start3A_180 : memref<100000x128xf32, #tpu.memory_space<hbm>>) target(%dma_start3A_175 : memref<400x128xf32, #tpu.memory_space<vmem>>) offsets(%dma_start3A_177 : memref<400xi32, #tpu.memory_space<vmem>>) semaphore(%arg13 : memref<!tpu.dma_semaphore, #tpu.memory_space<semaphore_mem>>)
    } else {
    }
    %convert_element_type3A_135 = arith.extui %lt3A_3 : i1 to i32
    %cond3A_136 = arith.constant 0 : i32
    %cond3A_137 = arith.cmpi ne, %convert_element_type3A_135, %cond3A_136 : i32
    scf.if %cond3A_137 {
      %dma_wait3A_165 = arith.constant 0 : i32
      %dma_wait3A_166 = arith.constant 0 : i32
      %dma_wait3A_167 = tpu.memref_slice %arg9[%dma_wait3A_165, %dma_wait3A_166] : memref<400x128xf32, #tpu.memory_space<vmem>> -> memref<400x128xf32, #tpu.memory_space<vmem>>
      %dma_wait3A_168 = arith.constant 0 : i32
      %dma_wait3A_169 = tpu.memref_slice %arg7[%dma_wait3A_168] : memref<400xi32, #tpu.memory_space<vmem>> -> memref<400xi32, #tpu.memory_space<vmem>>
      %dma_wait3A_170 = arith.constant 0 : i32
      %dma_wait3A_171 = arith.constant 0 : i32
      %dma_wait3A_172 = tpu.memref_slice %arg3[%dma_wait3A_170, %dma_wait3A_171] : memref<100000x128xf32, #tpu.memory_space<hbm>> -> memref<100000x128xf32, #tpu.memory_space<hbm>>
      tpu.wait_indirect_dma semaphore(%arg14 : memref<!tpu.dma_semaphore, #tpu.memory_space<semaphore_mem>>) src(%dma_wait3A_172 : memref<100000x128xf32, #tpu.memory_space<hbm>>) dst(%dma_wait3A_167 : memref<400x128xf32, #tpu.memory_space<vmem>>)
      %add3A_173 = arith.constant 1600 : i32
      %add3A_174 = arith.addi %mul3A_2, %add3A_173 : i32
      "tpu.region"() ({
        %run_scoped3A = tpu.sem_alloc : memref<!tpu.dma_semaphore, #tpu.memory_space<semaphore_mem>>
        %dma_start3A_175 = arith.constant 0 : i32
        %dma_start3A_176 = arith.constant 0 : i32
        %dma_start3A_177 = tpu.memref_slice %arg9[%dma_start3A_175, %dma_start3A_176] : memref<400x128xf32, #tpu.memory_space<vmem>> -> memref<400x128xf32, #tpu.memory_space<vmem>>
        %dma_start3A_178 = arith.constant 0 : i32
        %dma_start3A_179 = tpu.memref_slice %arg4[%add3A_174, %dma_start3A_178] : memref<100000x128xf32, #tpu.memory_space<hbm>> -> memref<400x128xf32, #tpu.memory_space<hbm>>
        %dma_start3A_180 = arith.constant 0 : i32
        %dma_start3A_181 = tpu.memref_slice %arg4[%add3A_174, %dma_start3A_180] : memref<100000x128xf32, #tpu.memory_space<hbm>> -> memref<400x128xf32, #tpu.memory_space<hbm>>
        %dma_start3A_182 = arith.constant 0 : i32
        %dma_start3A_183 = arith.constant 0 : i32
        %dma_start3A_184 = tpu.memref_slice %arg9[%dma_start3A_182, %dma_start3A_183] : memref<400x128xf32, #tpu.memory_space<vmem>> -> memref<400x128xf32, #tpu.memory_space<vmem>>
        tpu.enqueue_dma source(%dma_start3A_184 : memref<400x128xf32, #tpu.memory_space<vmem>>) target(%dma_start3A_181 : memref<400x128xf32, #tpu.memory_space<hbm>>) target_semaphore(%run_scoped3A : memref<!tpu.dma_semaphore, #tpu.memory_space<semaphore_mem>>)
        %dma_wait3A_185 = arith.constant 0 : i32
        %dma_wait3A_186 = arith.constant 0 : i32
        %dma_wait3A_187 = tpu.memref_slice %arg9[%dma_wait3A_185, %dma_wait3A_186] : memref<400x128xf32, #tpu.memory_space<vmem>> -> memref<400x128xf32, #tpu.memory_space<vmem>>
        %dma_wait3A_188 = arith.constant 0 : i32
        %dma_wait3A_189 = tpu.memref_slice %arg4[%add3A_174, %dma_wait3A_188] : memref<100000x128xf32, #tpu.memory_space<hbm>> -> memref<400x128xf32, #tpu.memory_space<hbm>>
        %dma_wait3A_190 = arith.constant 0 : i32
        %dma_wait3A_191 = tpu.memref_slice %arg4[%add3A_174, %dma_wait3A_190] : memref<100000x128xf32, #tpu.memory_space<hbm>> -> memref<400x128xf32, #tpu.memory_space<hbm>>
        %dma_wait3A_192 = arith.constant 0 : i32
        %dma_wait3A_193 = arith.constant 0 : i32
        %dma_wait3A_194 = tpu.memref_slice %arg9[%dma_wait3A_192, %dma_wait3A_193] : memref<400x128xf32, #tpu.memory_space<vmem>> -> memref<400x128xf32, #tpu.memory_space<vmem>>
        tpu.wait_dma2 semaphore(%run_scoped3A : memref<!tpu.dma_semaphore, #tpu.memory_space<semaphore_mem>>) src(%dma_wait3A_194 : memref<400x128xf32, #tpu.memory_space<vmem>>) dst(%dma_wait3A_191 : memref<400x128xf32, #tpu.memory_space<hbm>>)
        tpu.yield
      }) : () -> ()
    } else {
    }
    %convert_element_type3A_138 = arith.extui %lt3A_3 : i1 to i32
    %cond3A_139 = arith.constant 0 : i32
    %cond3A_140 = arith.cmpi ne, %convert_element_type3A_138, %cond3A_139 : i32
    scf.if %cond3A_140 {
      %add3A_165 = arith.constant 2800 : i32
      %add3A_166 = arith.addi %mul3A_2, %add3A_165 : i32
      %dma_start3A_167 = arith.constant 0 : i32
      %dma_start3A_168 = tpu.memref_slice %arg7[%dma_start3A_167] : memref<400xi32, #tpu.memory_space<vmem>> -> memref<320xi32, #tpu.memory_space<vmem>>
      %dma_start3A_169 = tpu.memref_slice %arg2[%add3A_166] : memref<100000xi32, #tpu.memory_space<hbm>> -> memref<320xi32, #tpu.memory_space<hbm>>
      %dma_start3A_170 = arith.constant 0 : i32
      %dma_start3A_171 = tpu.memref_slice %arg7[%dma_start3A_170] : memref<400xi32, #tpu.memory_space<vmem>> -> memref<320xi32, #tpu.memory_space<vmem>>
      %dma_start3A_172 = tpu.memref_slice %arg2[%add3A_166] : memref<100000xi32, #tpu.memory_space<hbm>> -> memref<320xi32, #tpu.memory_space<hbm>>
      tpu.enqueue_dma source(%dma_start3A_172 : memref<320xi32, #tpu.memory_space<hbm>>) target(%dma_start3A_171 : memref<320xi32, #tpu.memory_space<vmem>>) target_semaphore(%arg12 : memref<!tpu.dma_semaphore, #tpu.memory_space<semaphore_mem>>)
    } else {
    }
    %convert_element_type3A_141 = arith.extui %lt3A_3 : i1 to i32
    %cond3A_142 = arith.constant 0 : i32
    %cond3A_143 = arith.cmpi ne, %convert_element_type3A_141, %cond3A_142 : i32
    scf.if %cond3A_143 {
      %add3A_165 = arith.constant 2400 : i32
      %add3A_166 = arith.addi %mul3A_2, %add3A_165 : i32
      %dma_wait3A_167 = arith.constant 0 : i32
      %dma_wait3A_168 = tpu.memref_slice %arg6[%dma_wait3A_167] : memref<400xi32, #tpu.memory_space<vmem>> -> memref<400xi32, #tpu.memory_space<vmem>>
      %dma_wait3A_169 = tpu.memref_slice %arg2[%add3A_166] : memref<100000xi32, #tpu.memory_space<hbm>> -> memref<400xi32, #tpu.memory_space<hbm>>
      %dma_wait3A_170 = arith.constant 0 : i32
      %dma_wait3A_171 = tpu.memref_slice %arg6[%dma_wait3A_170] : memref<400xi32, #tpu.memory_space<vmem>> -> memref<400xi32, #tpu.memory_space<vmem>>
      %dma_wait3A_172 = tpu.memref_slice %arg2[%add3A_166] : memref<100000xi32, #tpu.memory_space<hbm>> -> memref<400xi32, #tpu.memory_space<hbm>>
      tpu.wait_dma2 semaphore(%arg11 : memref<!tpu.dma_semaphore, #tpu.memory_space<semaphore_mem>>) src(%dma_wait3A_172 : memref<400xi32, #tpu.memory_space<hbm>>) dst(%dma_wait3A_171 : memref<400xi32, #tpu.memory_space<vmem>>)
      %dma_start3A_173 = arith.constant 0 : i32
      %dma_start3A_174 = arith.constant 0 : i32
      %dma_start3A_175 = tpu.memref_slice %arg9[%dma_start3A_173, %dma_start3A_174] : memref<400x128xf32, #tpu.memory_space<vmem>> -> memref<400x128xf32, #tpu.memory_space<vmem>>
      %dma_start3A_176 = arith.constant 0 : i32
      %dma_start3A_177 = tpu.memref_slice %arg6[%dma_start3A_176] : memref<400xi32, #tpu.memory_space<vmem>> -> memref<400xi32, #tpu.memory_space<vmem>>
      %dma_start3A_178 = arith.constant 0 : i32
      %dma_start3A_179 = arith.constant 0 : i32
      %dma_start3A_180 = tpu.memref_slice %arg3[%dma_start3A_178, %dma_start3A_179] : memref<100000x128xf32, #tpu.memory_space<hbm>> -> memref<100000x128xf32, #tpu.memory_space<hbm>>
      tpu.enqueue_indirect_dma source(%dma_start3A_180 : memref<100000x128xf32, #tpu.memory_space<hbm>>) target(%dma_start3A_175 : memref<400x128xf32, #tpu.memory_space<vmem>>) offsets(%dma_start3A_177 : memref<400xi32, #tpu.memory_space<vmem>>) semaphore(%arg14 : memref<!tpu.dma_semaphore, #tpu.memory_space<semaphore_mem>>)
    } else {
    }
    %convert_element_type3A_144 = arith.extui %lt3A_3 : i1 to i32
    %cond3A_145 = arith.constant 0 : i32
    %cond3A_146 = arith.cmpi ne, %convert_element_type3A_144, %cond3A_145 : i32
    scf.if %cond3A_146 {
      %dma_wait3A_165 = arith.constant 0 : i32
      %dma_wait3A_166 = arith.constant 0 : i32
      %dma_wait3A_167 = tpu.memref_slice %arg8[%dma_wait3A_165, %dma_wait3A_166] : memref<400x128xf32, #tpu.memory_space<vmem>> -> memref<400x128xf32, #tpu.memory_space<vmem>>
      %dma_wait3A_168 = arith.constant 0 : i32
      %dma_wait3A_169 = tpu.memref_slice %arg5[%dma_wait3A_168] : memref<400xi32, #tpu.memory_space<vmem>> -> memref<400xi32, #tpu.memory_space<vmem>>
      %dma_wait3A_170 = arith.constant 0 : i32
      %dma_wait3A_171 = arith.constant 0 : i32
      %dma_wait3A_172 = tpu.memref_slice %arg3[%dma_wait3A_170, %dma_wait3A_171] : memref<100000x128xf32, #tpu.memory_space<hbm>> -> memref<100000x128xf32, #tpu.memory_space<hbm>>
      tpu.wait_indirect_dma semaphore(%arg13 : memref<!tpu.dma_semaphore, #tpu.memory_space<semaphore_mem>>) src(%dma_wait3A_172 : memref<100000x128xf32, #tpu.memory_space<hbm>>) dst(%dma_wait3A_167 : memref<400x128xf32, #tpu.memory_space<vmem>>)
      %add3A_173 = arith.constant 2000 : i32
      %add3A_174 = arith.addi %mul3A_2, %add3A_173 : i32
      "tpu.region"() ({
        %run_scoped3A = tpu.sem_alloc : memref<!tpu.dma_semaphore, #tpu.memory_space<semaphore_mem>>
        %dma_start3A_175 = arith.constant 0 : i32
        %dma_start3A_176 = arith.constant 0 : i32
        %dma_start3A_177 = tpu.memref_slice %arg8[%dma_start3A_175, %dma_start3A_176] : memref<400x128xf32, #tpu.memory_space<vmem>> -> memref<400x128xf32, #tpu.memory_space<vmem>>
        %dma_start3A_178 = arith.constant 0 : i32
        %dma_start3A_179 = tpu.memref_slice %arg4[%add3A_174, %dma_start3A_178] : memref<100000x128xf32, #tpu.memory_space<hbm>> -> memref<400x128xf32, #tpu.memory_space<hbm>>
        %dma_start3A_180 = arith.constant 0 : i32
        %dma_start3A_181 = tpu.memref_slice %arg4[%add3A_174, %dma_start3A_180] : memref<100000x128xf32, #tpu.memory_space<hbm>> -> memref<400x128xf32, #tpu.memory_space<hbm>>
        %dma_start3A_182 = arith.constant 0 : i32
        %dma_start3A_183 = arith.constant 0 : i32
        %dma_start3A_184 = tpu.memref_slice %arg8[%dma_start3A_182, %dma_start3A_183] : memref<400x128xf32, #tpu.memory_space<vmem>> -> memref<400x128xf32, #tpu.memory_space<vmem>>
        tpu.enqueue_dma source(%dma_start3A_184 : memref<400x128xf32, #tpu.memory_space<vmem>>) target(%dma_start3A_181 : memref<400x128xf32, #tpu.memory_space<hbm>>) target_semaphore(%run_scoped3A : memref<!tpu.dma_semaphore, #tpu.memory_space<semaphore_mem>>)
        %dma_wait3A_185 = arith.constant 0 : i32
        %dma_wait3A_186 = arith.constant 0 : i32
        %dma_wait3A_187 = tpu.memref_slice %arg8[%dma_wait3A_185, %dma_wait3A_186] : memref<400x128xf32, #tpu.memory_space<vmem>> -> memref<400x128xf32, #tpu.memory_space<vmem>>
        %dma_wait3A_188 = arith.constant 0 : i32
        %dma_wait3A_189 = tpu.memref_slice %arg4[%add3A_174, %dma_wait3A_188] : memref<100000x128xf32, #tpu.memory_space<hbm>> -> memref<400x128xf32, #tpu.memory_space<hbm>>
        %dma_wait3A_190 = arith.constant 0 : i32
        %dma_wait3A_191 = tpu.memref_slice %arg4[%add3A_174, %dma_wait3A_190] : memref<100000x128xf32, #tpu.memory_space<hbm>> -> memref<400x128xf32, #tpu.memory_space<hbm>>
        %dma_wait3A_192 = arith.constant 0 : i32
        %dma_wait3A_193 = arith.constant 0 : i32
        %dma_wait3A_194 = tpu.memref_slice %arg8[%dma_wait3A_192, %dma_wait3A_193] : memref<400x128xf32, #tpu.memory_space<vmem>> -> memref<400x128xf32, #tpu.memory_space<vmem>>
        tpu.wait_dma2 semaphore(%run_scoped3A : memref<!tpu.dma_semaphore, #tpu.memory_space<semaphore_mem>>) src(%dma_wait3A_194 : memref<400x128xf32, #tpu.memory_space<vmem>>) dst(%dma_wait3A_191 : memref<400x128xf32, #tpu.memory_space<hbm>>)
        tpu.yield
      }) : () -> ()
    } else {
    }
    %convert_element_type3A_147 = arith.extui %lt3A_3 : i1 to i32
    %cond3A_148 = arith.constant 0 : i32
    %cond3A_149 = arith.cmpi ne, %convert_element_type3A_147, %cond3A_148 : i32
    scf.if %cond3A_149 {
      %add3A_165 = arith.constant 3120 : i32
      %add3A_166 = arith.addi %mul3A_2, %add3A_165 : i32
      %dma_start3A_167 = arith.constant 0 : i32
      %dma_start3A_168 = tpu.memref_slice %arg5[%dma_start3A_167] : memref<400xi32, #tpu.memory_space<vmem>> -> memref<80xi32, #tpu.memory_space<vmem>>
      %dma_start3A_169 = tpu.memref_slice %arg2[%add3A_166] : memref<100000xi32, #tpu.memory_space<hbm>> -> memref<80xi32, #tpu.memory_space<hbm>>
      %dma_start3A_170 = arith.constant 0 : i32
      %dma_start3A_171 = tpu.memref_slice %arg5[%dma_start3A_170] : memref<400xi32, #tpu.memory_space<vmem>> -> memref<80xi32, #tpu.memory_space<vmem>>
      %dma_start3A_172 = tpu.memref_slice %arg2[%add3A_166] : memref<100000xi32, #tpu.memory_space<hbm>> -> memref<80xi32, #tpu.memory_space<hbm>>
      tpu.enqueue_dma source(%dma_start3A_172 : memref<80xi32, #tpu.memory_space<hbm>>) target(%dma_start3A_171 : memref<80xi32, #tpu.memory_space<vmem>>) target_semaphore(%arg10 : memref<!tpu.dma_semaphore, #tpu.memory_space<semaphore_mem>>)
    } else {
    }
    %convert_element_type3A_150 = arith.extui %lt3A_3 : i1 to i32
    %cond3A_151 = arith.constant 0 : i32
    %cond3A_152 = arith.cmpi ne, %convert_element_type3A_150, %cond3A_151 : i32
    scf.if %cond3A_152 {
      %add3A_165 = arith.constant 2800 : i32
      %add3A_166 = arith.addi %mul3A_2, %add3A_165 : i32
      %dma_wait3A_167 = arith.constant 0 : i32
      %dma_wait3A_168 = tpu.memref_slice %arg7[%dma_wait3A_167] : memref<400xi32, #tpu.memory_space<vmem>> -> memref<320xi32, #tpu.memory_space<vmem>>
      %dma_wait3A_169 = tpu.memref_slice %arg2[%add3A_166] : memref<100000xi32, #tpu.memory_space<hbm>> -> memref<320xi32, #tpu.memory_space<hbm>>
      %dma_wait3A_170 = arith.constant 0 : i32
      %dma_wait3A_171 = tpu.memref_slice %arg7[%dma_wait3A_170] : memref<400xi32, #tpu.memory_space<vmem>> -> memref<320xi32, #tpu.memory_space<vmem>>
      %dma_wait3A_172 = tpu.memref_slice %arg2[%add3A_166] : memref<100000xi32, #tpu.memory_space<hbm>> -> memref<320xi32, #tpu.memory_space<hbm>>
      tpu.wait_dma2 semaphore(%arg12 : memref<!tpu.dma_semaphore, #tpu.memory_space<semaphore_mem>>) src(%dma_wait3A_172 : memref<320xi32, #tpu.memory_space<hbm>>) dst(%dma_wait3A_171 : memref<320xi32, #tpu.memory_space<vmem>>)
      %dma_start3A_173 = arith.constant 0 : i32
      %dma_start3A_174 = arith.constant 0 : i32
      %dma_start3A_175 = tpu.memref_slice %arg8[%dma_start3A_173, %dma_start3A_174] : memref<400x128xf32, #tpu.memory_space<vmem>> -> memref<320x128xf32, #tpu.memory_space<vmem>>
      %dma_start3A_176 = arith.constant 0 : i32
      %dma_start3A_177 = tpu.memref_slice %arg7[%dma_start3A_176] : memref<400xi32, #tpu.memory_space<vmem>> -> memref<320xi32, #tpu.memory_space<vmem>>
      %dma_start3A_178 = arith.constant 0 : i32
      %dma_start3A_179 = arith.constant 0 : i32
      %dma_start3A_180 = tpu.memref_slice %arg3[%dma_start3A_178, %dma_start3A_179] : memref<100000x128xf32, #tpu.memory_space<hbm>> -> memref<100000x128xf32, #tpu.memory_space<hbm>>
      tpu.enqueue_indirect_dma source(%dma_start3A_180 : memref<100000x128xf32, #tpu.memory_space<hbm>>) target(%dma_start3A_175 : memref<320x128xf32, #tpu.memory_space<vmem>>) offsets(%dma_start3A_177 : memref<320xi32, #tpu.memory_space<vmem>>) semaphore(%arg13 : memref<!tpu.dma_semaphore, #tpu.memory_space<semaphore_mem>>)
    } else {
    }
    %convert_element_type3A_153 = arith.extui %lt3A_3 : i1 to i32
    %cond3A_154 = arith.constant 0 : i32
    %cond3A_155 = arith.cmpi ne, %convert_element_type3A_153, %cond3A_154 : i32
    scf.if %cond3A_155 {
      %dma_wait3A_165 = arith.constant 0 : i32
      %dma_wait3A_166 = arith.constant 0 : i32
      %dma_wait3A_167 = tpu.memref_slice %arg9[%dma_wait3A_165, %dma_wait3A_166] : memref<400x128xf32, #tpu.memory_space<vmem>> -> memref<400x128xf32, #tpu.memory_space<vmem>>
      %dma_wait3A_168 = arith.constant 0 : i32
      %dma_wait3A_169 = tpu.memref_slice %arg6[%dma_wait3A_168] : memref<400xi32, #tpu.memory_space<vmem>> -> memref<400xi32, #tpu.memory_space<vmem>>
      %dma_wait3A_170 = arith.constant 0 : i32
      %dma_wait3A_171 = arith.constant 0 : i32
      %dma_wait3A_172 = tpu.memref_slice %arg3[%dma_wait3A_170, %dma_wait3A_171] : memref<100000x128xf32, #tpu.memory_space<hbm>> -> memref<100000x128xf32, #tpu.memory_space<hbm>>
      tpu.wait_indirect_dma semaphore(%arg14 : memref<!tpu.dma_semaphore, #tpu.memory_space<semaphore_mem>>) src(%dma_wait3A_172 : memref<100000x128xf32, #tpu.memory_space<hbm>>) dst(%dma_wait3A_167 : memref<400x128xf32, #tpu.memory_space<vmem>>)
      %add3A_173 = arith.constant 2400 : i32
      %add3A_174 = arith.addi %mul3A_2, %add3A_173 : i32
      "tpu.region"() ({
        %run_scoped3A = tpu.sem_alloc : memref<!tpu.dma_semaphore, #tpu.memory_space<semaphore_mem>>
        %dma_start3A_175 = arith.constant 0 : i32
        %dma_start3A_176 = arith.constant 0 : i32
        %dma_start3A_177 = tpu.memref_slice %arg9[%dma_start3A_175, %dma_start3A_176] : memref<400x128xf32, #tpu.memory_space<vmem>> -> memref<400x128xf32, #tpu.memory_space<vmem>>
        %dma_start3A_178 = arith.constant 0 : i32
        %dma_start3A_179 = tpu.memref_slice %arg4[%add3A_174, %dma_start3A_178] : memref<100000x128xf32, #tpu.memory_space<hbm>> -> memref<400x128xf32, #tpu.memory_space<hbm>>
        %dma_start3A_180 = arith.constant 0 : i32
        %dma_start3A_181 = tpu.memref_slice %arg4[%add3A_174, %dma_start3A_180] : memref<100000x128xf32, #tpu.memory_space<hbm>> -> memref<400x128xf32, #tpu.memory_space<hbm>>
        %dma_start3A_182 = arith.constant 0 : i32
        %dma_start3A_183 = arith.constant 0 : i32
        %dma_start3A_184 = tpu.memref_slice %arg9[%dma_start3A_182, %dma_start3A_183] : memref<400x128xf32, #tpu.memory_space<vmem>> -> memref<400x128xf32, #tpu.memory_space<vmem>>
        tpu.enqueue_dma source(%dma_start3A_184 : memref<400x128xf32, #tpu.memory_space<vmem>>) target(%dma_start3A_181 : memref<400x128xf32, #tpu.memory_space<hbm>>) target_semaphore(%run_scoped3A : memref<!tpu.dma_semaphore, #tpu.memory_space<semaphore_mem>>)
        %dma_wait3A_185 = arith.constant 0 : i32
        %dma_wait3A_186 = arith.constant 0 : i32
        %dma_wait3A_187 = tpu.memref_slice %arg9[%dma_wait3A_185, %dma_wait3A_186] : memref<400x128xf32, #tpu.memory_space<vmem>> -> memref<400x128xf32, #tpu.memory_space<vmem>>
        %dma_wait3A_188 = arith.constant 0 : i32
        %dma_wait3A_189 = tpu.memref_slice %arg4[%add3A_174, %dma_wait3A_188] : memref<100000x128xf32, #tpu.memory_space<hbm>> -> memref<400x128xf32, #tpu.memory_space<hbm>>
        %dma_wait3A_190 = arith.constant 0 : i32
        %dma_wait3A_191 = tpu.memref_slice %arg4[%add3A_174, %dma_wait3A_190] : memref<100000x128xf32, #tpu.memory_space<hbm>> -> memref<400x128xf32, #tpu.memory_space<hbm>>
        %dma_wait3A_192 = arith.constant 0 : i32
        %dma_wait3A_193 = arith.constant 0 : i32
        %dma_wait3A_194 = tpu.memref_slice %arg9[%dma_wait3A_192, %dma_wait3A_193] : memref<400x128xf32, #tpu.memory_space<vmem>> -> memref<400x128xf32, #tpu.memory_space<vmem>>
        tpu.wait_dma2 semaphore(%run_scoped3A : memref<!tpu.dma_semaphore, #tpu.memory_space<semaphore_mem>>) src(%dma_wait3A_194 : memref<400x128xf32, #tpu.memory_space<vmem>>) dst(%dma_wait3A_191 : memref<400x128xf32, #tpu.memory_space<hbm>>)
        tpu.yield
      }) : () -> ()
    } else {
    }
    %convert_element_type3A_156 = arith.extui %lt3A_3 : i1 to i32
    %cond3A_157 = arith.constant 0 : i32
    %cond3A_158 = arith.cmpi ne, %convert_element_type3A_156, %cond3A_157 : i32
    scf.if %cond3A_158 {
      %add3A_165 = arith.constant 3120 : i32
      %add3A_166 = arith.addi %mul3A_2, %add3A_165 : i32
      %dma_wait3A_167 = arith.constant 0 : i32
      %dma_wait3A_168 = tpu.memref_slice %arg5[%dma_wait3A_167] : memref<400xi32, #tpu.memory_space<vmem>> -> memref<80xi32, #tpu.memory_space<vmem>>
      %dma_wait3A_169 = tpu.memref_slice %arg2[%add3A_166] : memref<100000xi32, #tpu.memory_space<hbm>> -> memref<80xi32, #tpu.memory_space<hbm>>
      %dma_wait3A_170 = arith.constant 0 : i32
      %dma_wait3A_171 = tpu.memref_slice %arg5[%dma_wait3A_170] : memref<400xi32, #tpu.memory_space<vmem>> -> memref<80xi32, #tpu.memory_space<vmem>>
      %dma_wait3A_172 = tpu.memref_slice %arg2[%add3A_166] : memref<100000xi32, #tpu.memory_space<hbm>> -> memref<80xi32, #tpu.memory_space<hbm>>
      tpu.wait_dma2 semaphore(%arg10 : memref<!tpu.dma_semaphore, #tpu.memory_space<semaphore_mem>>) src(%dma_wait3A_172 : memref<80xi32, #tpu.memory_space<hbm>>) dst(%dma_wait3A_171 : memref<80xi32, #tpu.memory_space<vmem>>)
      %dma_start3A_173 = arith.constant 0 : i32
      %dma_start3A_174 = arith.constant 0 : i32
      %dma_start3A_175 = tpu.memref_slice %arg9[%dma_start3A_173, %dma_start3A_174] : memref<400x128xf32, #tpu.memory_space<vmem>> -> memref<80x128xf32, #tpu.memory_space<vmem>>
      %dma_start3A_176 = arith.constant 0 : i32
      %dma_start3A_177 = tpu.memref_slice %arg5[%dma_start3A_176] : memref<400xi32, #tpu.memory_space<vmem>> -> memref<80xi32, #tpu.memory_space<vmem>>
      %dma_start3A_178 = arith.constant 0 : i32
      %dma_start3A_179 = arith.constant 0 : i32
      %dma_start3A_180 = tpu.memref_slice %arg3[%dma_start3A_178, %dma_start3A_179] : memref<100000x128xf32, #tpu.memory_space<hbm>> -> memref<100000x128xf32, #tpu.memory_space<hbm>>
      tpu.enqueue_indirect_dma source(%dma_start3A_180 : memref<100000x128xf32, #tpu.memory_space<hbm>>) target(%dma_start3A_175 : memref<80x128xf32, #tpu.memory_space<vmem>>) offsets(%dma_start3A_177 : memref<80xi32, #tpu.memory_space<vmem>>) semaphore(%arg14 : memref<!tpu.dma_semaphore, #tpu.memory_space<semaphore_mem>>)
    } else {
    }
    %convert_element_type3A_159 = arith.extui %lt3A_3 : i1 to i32
    %cond3A_160 = arith.constant 0 : i32
    %cond3A_161 = arith.cmpi ne, %convert_element_type3A_159, %cond3A_160 : i32
    scf.if %cond3A_161 {
      %dma_wait3A_165 = arith.constant 0 : i32
      %dma_wait3A_166 = arith.constant 0 : i32
      %dma_wait3A_167 = tpu.memref_slice %arg8[%dma_wait3A_165, %dma_wait3A_166] : memref<400x128xf32, #tpu.memory_space<vmem>> -> memref<320x128xf32, #tpu.memory_space<vmem>>
      %dma_wait3A_168 = arith.constant 0 : i32
      %dma_wait3A_169 = tpu.memref_slice %arg7[%dma_wait3A_168] : memref<400xi32, #tpu.memory_space<vmem>> -> memref<320xi32, #tpu.memory_space<vmem>>
      %dma_wait3A_170 = arith.constant 0 : i32
      %dma_wait3A_171 = arith.constant 0 : i32
      %dma_wait3A_172 = tpu.memref_slice %arg3[%dma_wait3A_170, %dma_wait3A_171] : memref<100000x128xf32, #tpu.memory_space<hbm>> -> memref<100000x128xf32, #tpu.memory_space<hbm>>
      tpu.wait_indirect_dma semaphore(%arg13 : memref<!tpu.dma_semaphore, #tpu.memory_space<semaphore_mem>>) src(%dma_wait3A_172 : memref<100000x128xf32, #tpu.memory_space<hbm>>) dst(%dma_wait3A_167 : memref<320x128xf32, #tpu.memory_space<vmem>>)
      %add3A_173 = arith.constant 2800 : i32
      %add3A_174 = arith.addi %mul3A_2, %add3A_173 : i32
      "tpu.region"() ({
        %run_scoped3A = tpu.sem_alloc : memref<!tpu.dma_semaphore, #tpu.memory_space<semaphore_mem>>
        %dma_start3A_175 = arith.constant 0 : i32
        %dma_start3A_176 = arith.constant 0 : i32
        %dma_start3A_177 = tpu.memref_slice %arg8[%dma_start3A_175, %dma_start3A_176] : memref<400x128xf32, #tpu.memory_space<vmem>> -> memref<320x128xf32, #tpu.memory_space<vmem>>
        %dma_start3A_178 = arith.constant 0 : i32
        %dma_start3A_179 = tpu.memref_slice %arg4[%add3A_174, %dma_start3A_178] : memref<100000x128xf32, #tpu.memory_space<hbm>> -> memref<320x128xf32, #tpu.memory_space<hbm>>
        %dma_start3A_180 = arith.constant 0 : i32
        %dma_start3A_181 = tpu.memref_slice %arg4[%add3A_174, %dma_start3A_180] : memref<100000x128xf32, #tpu.memory_space<hbm>> -> memref<320x128xf32, #tpu.memory_space<hbm>>
        %dma_start3A_182 = arith.constant 0 : i32
        %dma_start3A_183 = arith.constant 0 : i32
        %dma_start3A_184 = tpu.memref_slice %arg8[%dma_start3A_182, %dma_start3A_183] : memref<400x128xf32, #tpu.memory_space<vmem>> -> memref<320x128xf32, #tpu.memory_space<vmem>>
        tpu.enqueue_dma source(%dma_start3A_184 : memref<320x128xf32, #tpu.memory_space<vmem>>) target(%dma_start3A_181 : memref<320x128xf32, #tpu.memory_space<hbm>>) target_semaphore(%run_scoped3A : memref<!tpu.dma_semaphore, #tpu.memory_space<semaphore_mem>>)
        %dma_wait3A_185 = arith.constant 0 : i32
        %dma_wait3A_186 = arith.constant 0 : i32
        %dma_wait3A_187 = tpu.memref_slice %arg8[%dma_wait3A_185, %dma_wait3A_186] : memref<400x128xf32, #tpu.memory_space<vmem>> -> memref<320x128xf32, #tpu.memory_space<vmem>>
        %dma_wait3A_188 = arith.constant 0 : i32
        %dma_wait3A_189 = tpu.memref_slice %arg4[%add3A_174, %dma_wait3A_188] : memref<100000x128xf32, #tpu.memory_space<hbm>> -> memref<320x128xf32, #tpu.memory_space<hbm>>
        %dma_wait3A_190 = arith.constant 0 : i32
        %dma_wait3A_191 = tpu.memref_slice %arg4[%add3A_174, %dma_wait3A_190] : memref<100000x128xf32, #tpu.memory_space<hbm>> -> memref<320x128xf32, #tpu.memory_space<hbm>>
        %dma_wait3A_192 = arith.constant 0 : i32
        %dma_wait3A_193 = arith.constant 0 : i32
        %dma_wait3A_194 = tpu.memref_slice %arg8[%dma_wait3A_192, %dma_wait3A_193] : memref<400x128xf32, #tpu.memory_space<vmem>> -> memref<320x128xf32, #tpu.memory_space<vmem>>
        tpu.wait_dma2 semaphore(%run_scoped3A : memref<!tpu.dma_semaphore, #tpu.memory_space<semaphore_mem>>) src(%dma_wait3A_194 : memref<320x128xf32, #tpu.memory_space<vmem>>) dst(%dma_wait3A_191 : memref<320x128xf32, #tpu.memory_space<hbm>>)
        tpu.yield
      }) : () -> ()
    } else {
    }
    %convert_element_type3A_162 = arith.extui %lt3A_3 : i1 to i32
    %cond3A_163 = arith.constant 0 : i32
    %cond3A_164 = arith.cmpi ne, %convert_element_type3A_162, %cond3A_163 : i32
    scf.if %cond3A_164 {
      %dma_wait3A_165 = arith.constant 0 : i32
      %dma_wait3A_166 = arith.constant 0 : i32
      %dma_wait3A_167 = tpu.memref_slice %arg9[%dma_wait3A_165, %dma_wait3A_166] : memref<400x128xf32, #tpu.memory_space<vmem>> -> memref<80x128xf32, #tpu.memory_space<vmem>>
      %dma_wait3A_168 = arith.constant 0 : i32
      %dma_wait3A_169 = tpu.memref_slice %arg5[%dma_wait3A_168] : memref<400xi32, #tpu.memory_space<vmem>> -> memref<80xi32, #tpu.memory_space<vmem>>
      %dma_wait3A_170 = arith.constant 0 : i32
      %dma_wait3A_171 = arith.constant 0 : i32
      %dma_wait3A_172 = tpu.memref_slice %arg3[%dma_wait3A_170, %dma_wait3A_171] : memref<100000x128xf32, #tpu.memory_space<hbm>> -> memref<100000x128xf32, #tpu.memory_space<hbm>>
      tpu.wait_indirect_dma semaphore(%arg14 : memref<!tpu.dma_semaphore, #tpu.memory_space<semaphore_mem>>) src(%dma_wait3A_172 : memref<100000x128xf32, #tpu.memory_space<hbm>>) dst(%dma_wait3A_167 : memref<80x128xf32, #tpu.memory_space<vmem>>)
      %add3A_173 = arith.constant 3120 : i32
      %add3A_174 = arith.addi %mul3A_2, %add3A_173 : i32
      "tpu.region"() ({
        %run_scoped3A = tpu.sem_alloc : memref<!tpu.dma_semaphore, #tpu.memory_space<semaphore_mem>>
        %dma_start3A_175 = arith.constant 0 : i32
        %dma_start3A_176 = arith.constant 0 : i32
        %dma_start3A_177 = tpu.memref_slice %arg9[%dma_start3A_175, %dma_start3A_176] : memref<400x128xf32, #tpu.memory_space<vmem>> -> memref<80x128xf32, #tpu.memory_space<vmem>>
        %dma_start3A_178 = arith.constant 0 : i32
        %dma_start3A_179 = tpu.memref_slice %arg4[%add3A_174, %dma_start3A_178] : memref<100000x128xf32, #tpu.memory_space<hbm>> -> memref<80x128xf32, #tpu.memory_space<hbm>>
        %dma_start3A_180 = arith.constant 0 : i32
        %dma_start3A_181 = tpu.memref_slice %arg4[%add3A_174, %dma_start3A_180] : memref<100000x128xf32, #tpu.memory_space<hbm>> -> memref<80x128xf32, #tpu.memory_space<hbm>>
        %dma_start3A_182 = arith.constant 0 : i32
        %dma_start3A_183 = arith.constant 0 : i32
        %dma_start3A_184 = tpu.memref_slice %arg9[%dma_start3A_182, %dma_start3A_183] : memref<400x128xf32, #tpu.memory_space<vmem>> -> memref<80x128xf32, #tpu.memory_space<vmem>>
        tpu.enqueue_dma source(%dma_start3A_184 : memref<80x128xf32, #tpu.memory_space<vmem>>) target(%dma_start3A_181 : memref<80x128xf32, #tpu.memory_space<hbm>>) target_semaphore(%run_scoped3A : memref<!tpu.dma_semaphore, #tpu.memory_space<semaphore_mem>>)
        %dma_wait3A_185 = arith.constant 0 : i32
        %dma_wait3A_186 = arith.constant 0 : i32
        %dma_wait3A_187 = tpu.memref_slice %arg9[%dma_wait3A_185, %dma_wait3A_186] : memref<400x128xf32, #tpu.memory_space<vmem>> -> memref<80x128xf32, #tpu.memory_space<vmem>>
        %dma_wait3A_188 = arith.constant 0 : i32
        %dma_wait3A_189 = tpu.memref_slice %arg4[%add3A_174, %dma_wait3A_188] : memref<100000x128xf32, #tpu.memory_space<hbm>> -> memref<80x128xf32, #tpu.memory_space<hbm>>
        %dma_wait3A_190 = arith.constant 0 : i32
        %dma_wait3A_191 = tpu.memref_slice %arg4[%add3A_174, %dma_wait3A_190] : memref<100000x128xf32, #tpu.memory_space<hbm>> -> memref<80x128xf32, #tpu.memory_space<hbm>>
        %dma_wait3A_192 = arith.constant 0 : i32
        %dma_wait3A_193 = arith.constant 0 : i32
        %dma_wait3A_194 = tpu.memref_slice %arg9[%dma_wait3A_192, %dma_wait3A_193] : memref<400x128xf32, #tpu.memory_space<vmem>> -> memref<80x128xf32, #tpu.memory_space<vmem>>
        tpu.wait_dma2 semaphore(%run_scoped3A : memref<!tpu.dma_semaphore, #tpu.memory_space<semaphore_mem>>) src(%dma_wait3A_194 : memref<80x128xf32, #tpu.memory_space<vmem>>) dst(%dma_wait3A_191 : memref<80x128xf32, #tpu.memory_space<hbm>>)
        tpu.yield
      }) : () -> ()
    } else {
    }
    return
  }
}

</mosaic_0001>

<sc_bundles>
// kernel: kernel.3.cloned.1.call-start
scs
__scs_entry_jumppad:
0x0: {  	(pc) =	sbr.rel $0x88, $3  }
0x1: {  	(tag) =	ssettag $0x0;
	lr =	simm.s32 $0x1  }
0x2: {  	[smem:$0x3F9F] =	sst lr;
	_ =	strace $0xD0000000  }
0x3: {  	_ = 	snop  }
0x4: {  	_ = 	snop  }
0x5: {  	_ = 	snop  }
0x6: {  	_ = 	snop  }
0x7: {  	_ = 	snop  }
__scs_overlays_trampoline_lowered:
0x8: {  	[smem:$0x3FAE] =	sst s0  }
0x9: {  	[smem:$0x3FAF] =	sst s1  }
0xa: {  	[smem:$0x3FB0] =	sst s2  }
0xb: {  	[smem:$0x3FB1] =	sst s3  }
0xc: {  	[smem:$0x3FB2] =	sst s4  }
0xd: {  	[smem:$0x3FB3] =	sst s5  }
0xe: {  	[smem:$0x3FB4] =	sst s6  }
0xf: {  	[smem:$0x3FB5] =	sst s7  }
0x10: {  	[smem:$0x3FB6] =	sst s8  }
0x11: {  	[smem:$0x3FB7] =	sst s9;
	s0 =	simm.s32 @!p0 $0x0  }
0x12: {  	s1 =	sld [smem:$0x3F9D];
	s0 =	simm.s32 @p0 $0x1  }
0x13: {  	[smem:$0x3FB8] =	sst s0;
	s0 =	simm.s32 @!p1 $0x0  }
0x14: {  	s2 =	sld [smem:$0x3F9C];
	s0 =	simm.s32 @p1 $0x1  }
0x15: {  	[smem:$0x3FB9] =	sst s0;
	s0 =	simm.s32 @!p2 $0x0  }
0x16: {  	s3 =	sld [smem:$0x3FDB];
	s0 =	simm.s32 @p2 $0x1  }
0x17: {  	s4 =	simm.s32 $0x1BF5;
	[smem:$0x3FBB] =	sst s0  }
0x18: {  	s0 =	sld [smem:$0x3F9E];
	_ =	swait.ge [sflag:s4], $0x0  }
0x19: {  	s7 =	sld [smem:$0x3F9F]  }
0x1a: {  	s8 =	sadd.s32 $0xFFFFE003, lr  }
0x1b: {  	s9 =	sadd.s32 $0xFFFFFEF7, lr;
	s5 =	simm.s32 $0xFFFFFFFF;
	p2 =	slt.u32 s8, $0xFFFFF086  }
0x1c: {  	p1 =	slt.u32 s9, $0xF7A;
	s5 =	simm.s32 @!p2 $0x0  }
0x1d: {  	s5 =	simm.s32 @p1 $0x1;
	p0 =	seq.s32 s7, s2  }
0x1e: {  	s7 =	smul.u32 @!p0 $0xF7A, s2;
	p2 =	seq.s32 @!p0 s5, $0x0  }
0x1f: {  	s9 =	smul.u32 $0xF7A, s1;
	s8 =	simm.s32 @!p0 $0x1BF5;
	p2 =	por !p2, p0  }
0x20: {  	[sflag:s8] =	ssyncset.s32 @!p0 $0xFFFFF086;
	s6 =	sadd.s32 @!p0 s3, s7;
	s7 =	simm.s32 @!p0 $0x108  }
0x21: {  	s3 =	sadd.s32 s3, s9;
	s6 =	sadd.s32 @!p0 $0x88, s6;
	s7 =	simm.s32 @p2 $0x1082  }
0x22: {  	[simem:s7], [sflag:s8] =	dma.local @!p0 [hbm:s6], $0xF7A  }
0x23: {  	s9 =	sor.u32 $0xD0000000, s2;
	s6 =	simm.s32 $0x108;
	_ =	swait.ge @!p0 [sflag:s8], $0x0  }
0x24: {  	s3 =	sadd.s32 $0x88, s3;
	s6 =	simm.s32 @!p1 $0x1082;
	[sflag:s4] =	ssyncset.s32 $0xFFFFF086  }
0x25: {  	[simem:s6], [sflag:s4] =	dma.local [hbm:s3], $0xF7A  }
0x26: {  	[smem:$0x3F9F] =	sst s1;
	(tag) =	ssettag s2;
	_ =	strace s9  }
0x27: {  	s1 =	sld [smem:$0x3FAF]  }
0x28: {  	s2 =	sld [smem:$0x3FB0]  }
0x29: {  	s4 =	sld [smem:$0x3FB2]  }
0x2a: {  	p0 =	seq.s32 s5, $0x0;
	s5 =	sld [smem:$0x3FB3]  }
0x2b: {  	s6 =	sld [smem:$0x3FB4]  }
0x2c: {  	s7 =	sld [smem:$0x3FB5]  }
0x2d: {  	s3 =	simm.s32 $0x108;
	s8 =	sld [smem:$0x3FB6]  }
0x2e: {  	s3 =	simm.s32 @!p0 $0x1082;
	s9 =	sld [smem:$0x3FB7]  }
0x2f: {  	lr =	sadd.s32 s0, s3;
	s0 =	sld [smem:$0x3FAE]  }
0x30: {  	s3 =	sld [smem:$0x3FB1]  }
0x31: {  	[smem:$0x3FBA] =	sst s10  }
0x32: {  	s10 =	sld [smem:$0x3FB8];
	_ =	sdelay $0x3  }
0x33: {  	p0 =	seq.s32 s10, $0x1;
	s10 =	sld [smem:$0x3FBA];
	_ =	sdelay $0x3  }
0x34: {  	[smem:$0x3FBA] =	sst s10  }
0x35: {  	s10 =	sld [smem:$0x3FB9];
	_ =	sdelay $0x3  }
0x36: {  	p1 =	seq.s32 s10, $0x1;
	s10 =	sld [smem:$0x3FBA];
	_ =	sdelay $0x3  }
0x37: {  	[smem:$0x3FBA] =	sst s10  }
0x38: {  	s10 =	sld [smem:$0x3FBB]  }
0x39: {  	_ = 	snop;
	(pc) =	sbr.ind lr, $3  }
0x3a: {  	_ = 	snop  }
0x3b: {  	_ = 	snop  }
0x3c: {  	p2 =	seq.s32 s10, $0x1;
	s10 =	sld [smem:$0x3FBA]  }
0x3d: {  	_ =	shalt  }
0x3e: {  	_ =	shalt  }
0x3f: {  	_ =	shalt  }
0x40: {  	_ =	shalt  }
0x41: {  	_ =	shalt  }
0x42: {  	_ =	shalt  }
0x43: {  	_ =	shalt  }
0x44: {  	_ =	shalt  }
0x45: {  	_ =	shalt  }
0x46: {  	_ =	shalt  }
0x47: {  	_ =	shalt  }
0x48: {  	_ =	shalt  }
0x49: {  	_ =	shalt  }
0x4a: {  	_ =	shalt  }
0x4b: {  	_ =	shalt  }
0x4c: {  	_ =	shalt  }
0x4d: {  	_ =	shalt  }
0x4e: {  	_ =	shalt  }
0x4f: {  	_ =	shalt  }
0x50: {  	_ =	shalt  }
0x51: {  	_ =	shalt  }
0x52: {  	_ =	shalt  }
0x53: {  	_ =	shalt  }
0x54: {  	_ =	shalt  }
0x55: {  	_ =	shalt  }
0x56: {  	_ =	shalt  }
0x57: {  	_ =	shalt  }
0x58: {  	_ =	shalt  }
0x59: {  	_ =	shalt  }
0x5a: {  	_ =	shalt  }
0x5b: {  	_ =	shalt  }
0x5c: {  	_ =	shalt  }
0x5d: {  	_ =	shalt  }
0x5e: {  	_ =	shalt  }
0x5f: {  	_ =	shalt  }
0x60: {  	_ =	shalt  }
0x61: {  	_ =	shalt  }
0x62: {  	_ =	shalt  }
0x63: {  	_ =	shalt  }
0x64: {  	_ =	shalt  }
0x65: {  	_ =	shalt  }
0x66: {  	_ =	shalt  }
0x67: {  	_ =	shalt  }
0x68: {  	_ =	shalt  }
0x69: {  	_ =	shalt  }
0x6a: {  	_ =	shalt  }
0x6b: {  	_ =	shalt  }
0x6c: {  	_ =	shalt  }
0x6d: {  	_ =	shalt  }
0x6e: {  	_ =	shalt  }
0x6f: {  	_ =	shalt  }
0x70: {  	_ =	shalt  }
0x71: {  	_ =	shalt  }
0x72: {  	_ =	shalt  }
0x73: {  	_ =	shalt  }
0x74: {  	_ =	shalt  }
0x75: {  	_ =	shalt  }
0x76: {  	_ =	shalt  }
0x77: {  	_ =	shalt  }
0x78: {  	_ =	shalt  }
0x79: {  	_ =	shalt  }
0x7a: {  	_ =	shalt  }
0x7b: {  	_ =	shalt  }
0x7c: {  	_ =	shalt  }
0x7d: {  	_ =	shalt  }
0x7e: {  	_ =	shalt  }
0x7f: {  	_ =	shalt  }
0x80: {  	_ =	shalt  }
0x81: {  	_ =	shalt  }
0x82: {  	_ =	shalt  }
0x83: {  	_ =	shalt  }
0x84: {  	_ =	shalt  }
0x85: {  	_ =	shalt  }
0x86: {  	_ =	shalt  }
0x87: {  	_ =	shalt  }
.Lfunc_end0:
.L_simem_size_0:
called_computation_lowered:
.L_overlay_start_0:
0x88: {  	s2 =	sld [smem:$0x3FD9]  }
0x89: {  	s3 =	sld [smem:$0x3FFE];
	_ =	sdelay $0x1  }
0x8a: {  	s1 =	srdreg.scid  }
0x8b: {  	s0 =	sand.u32 $0x1, s1  }
0x8c: {  	s18 =	sshll.u32 s0, $0xA;
	s2 =	sadd.s32 s3, s2  }
0x8d: {  	s2 =	sadd.s32 s2, s18  }
0x8e: {  	[smem:$0x3FC6] =	sst s2  }
0x8f: {  	_ = 	snop  }
0x90: {  	s2 =	sld [smem:$0x3FC9]  }
0x91: {  	s19 =	sld [smem:$0x3FC8]  }
0x92: {  	s4 =	sld [smem:$0x3FD0];
	(tm) =	ssettm $0x1  }
0x93: {  	s5 =	sld [smem:$0x3FFB];
	_ =	sdelay $0x3  }
0x94: {  	_ =	strace s5  }
0x95: {  	s5 =	sld [smem:$0x3FFC];
	_ =	sdelay $0x3  }
0x96: {  	_ =	strace s5  }
0x97: {  	s5 =	sld [smem:$0x3FFD];
	_ =	sdelay $0x3  }
0x98: {  	_ =	strace s5  }
0x99: {  	_ =	strace $0x8FFFFFFF  }
0x9a: {  	s20 =	sld [smem:$0x3FDB];
	_ =	sdelay $0x1  }
0x9b: {  	s6 =	simm.s32 $_scs_section_size  }
0x9c: {  	s7 =	simm.s32 $_size__tile_overlayer_lowered;
	s8 =	simm.s32 $_tile_overlayer_lowered  }
0x9d: {  	s23 =	simm.s32 $0x1BFF;
	s22 =	sshll.u32 s8, $0x1;
	s5 =	sadd.s32 s6, s20  }
0x9e: {  	s9 =	simm.s32 $0x0;
	s21 =	sshll.u32 s7, $0x1;
	s7 =	sadd.s32 s22, s5  }
0x9f: {  	[timem:s9], [sflag:s23] =	dma.local [hbm:s7], s21  }
0xa0: {  	_ =	swait.ge [sflag:s23], s21  }
0xa1: {  	s6 =	ssub.s32 $0x0, s21;
	[sflag:s23] =	ssyncset.done $0x0  }
0xa2: {  	[sflag:s23] =	ssyncadd.s32 s6;
	_ =	sdelay $0x1  }
0xa3: {  	s24 =	simm.s32 $0x1B8B  }
0xa4: {  	_ =	swait.ge [sflag:s24], $0x1  }
0xa5: {  	[sflag:s24] =	ssyncset.done $0x0  }
0xa6: {  	s25 =	simm.s32 $0x1B8E;
	[sflag:s24] =	ssyncadd.s32 $0xFFFFFFFF  }
0xa7: {  	s26 =	simm.s32 $execute0_lowered;
	[smem:$0x3FD2] =	sst s25  }
0xa8: {  	s6 =	sshll.u32 s26, $0x1;
	_ =	strace $0x80000046;
	[dreg:$0x1] =	wrdreg $0xFFFFFFFF  }
0xa9: {  	s28 =	simm.s32 $_size_execute0_lowered;
	s5 =	sadd.s32 s5, s6;
	[dreg:$0x0] =	wrdreg $0x0  }
0xaa: {  	s6 =	sshll.u32 s28, $0x1;
	[dreg:$0x2] =	wrdreg s5  }
0xab: {  	[dreg:$0x3] =	wrdreg s6  }
0xac: {  	[dreg:$0x4] =	wrdreg $0xC0  }
0xad: {  	_ =	task [dreg:s9], $0x5FFFF  }
0xae: {  	[dreg:$0x1] =	wrdreg $0xFFFFFFFF  }
0xaf: {  	[dreg:$0x0] =	wrdreg $0x60  }
0xb0: {  	[dreg:$0x2] =	wrdreg s2  }
0xb1: {  	[dreg:$0x3] =	wrdreg s19  }
0xb2: {  	[dreg:$0x4] =	wrdreg s4  }
0xb3: {  	[dreg:$0x5] =	wrdreg $0x9  }
0xb4: {  	_ =	task.clear_ibuf [dreg:s9], $0x6FFFF;
	_ =	strace $0x90000046  }
0xb5: {  	s29 =	simm.s32 $0x9;
	_ =	strace $0x80000048  }
0xb6: {  	_ =	swait.ge [sflag:s29], $0x1  }
0xb7: {  	[sflag:s29] =	ssyncadd.s32 $0xFFFFFFFF  }
0xb8: {  	_ =	strace $0x90000048  }
0xb9: {  	_ =	sfence  }
0xba: {  	s30 =	sld [smem:$0x0];
	_ =	sdelay $0x2  }
0xbb: {  	s31 =	sshll.u32 s1, $0xD;
	s1 =	sshrl.u32 s1, $0x2  }
0xbc: {  	s3 =	sand.u32 $0x4000, s31;
	s1 =	sadd.s32 s1, s30  }
0xbd: {  	s0 =	sor.u32 s3, s0;
	s1 =	sshll.u32 s1, $0x11  }
0xbe: {  	s0 =	sor.u32 s1, s0  }
0xbf: {  	s0 =	sadd.s32 $0x8F2B, s0  }
0xc0: {  	[sflag:s0] =	ssyncadd.remote.s32 $0x1  }
0xc1: {  	_ =	sfence.sel $0xFFFF  }
0xc2: {  	[dreg:$0x0] =	wrdreg $0xFFFFFFFF;
	(pc) =	sbr.abs _section_cstart, $3  }
0xc3: {  	[dreg:$0x1] =	wrdreg $0xFFFFFFFF  }
0xc4: {  	_ =	task.clear_ibuf [dreg:s9], $0x2FFFF;
	_ =	strace $0x9FFFFFFF  }
0xc5: {  	(tm) =	ssettm $0x7FFFFFFF  }
tec
execute0_lowered:
.L_overlay_start_1:
0x0: {  	(tag) =	ssettag $0x1  }
0x1: {  	s0 =	rddreg [dreg:$0x0]  }
0x2: {  	s2 =	rddreg [dreg:$0x1];
	s1 =	srdreg.scid  }
0x3: {  	s3 =	stileid.u32;
	s10 =	rddreg [dreg:$0x2]  }
0x4: {  	s28 =	simm.s32 $0x50;
	s1 =	sand.u32 $0x1, s1;
	s3 =	sshll.u32 s3, $0x1  }
0x5: {  	s29 =	simm.s32 $0x600;
	s30 =	simm.s32 $0x400;
	s11 =	sor.u32 s1, s3  }
0x6: {  	s31 =	simm.s32 $0x2;
	s3 =	simm.s32 $0x0;
	s12 =	smul.u32 $0xC80, s11  }
0x7: {  	s1 =	ssub.s32 $0x2, s1;
	[smem:$0x7FF] =	sst s3;
	s7 =	smul.u32 $0xC800, s11  }
0x8: {  	s4 =	sshrl.u32 s1, $0x1;
	s17 =	smul.u32 $0x64000, s11;
	p0 =	seq.s32 s11, $0x1F  }
0x9: {  	s11 =	simm.s32 $0x6;
	_ =	strace $0x80000047;
	s1 =	ssub.s32 s1, s4  }
0xa: {  	s22 =	sshrl.u32 s12, $0x3;
	s9 =	sor.u32 $0x50, s12;
	s13 =	sadd.s32 $0x190, s12  }
0xb: {  	s7 =	sadd.s32 s10, s7;
	s14 =	sadd.s32 $0x640, s12;
	s18 =	sadd.s32 $0x7D0, s12  }
0xc: {  	s19 =	sadd.s32 $0x960, s12;
	s20 =	sadd.s32 $0xAF0, s12;
	s12 =	sadd.s32 $0xC30, s12  }
0xd: {  	s4 =	sadd.s32 s0, s22;
	s5 =	sshrl.u32 s9, $0x3;
	s6 =	sshrl.u32 s13, $0x3  }
0xe: {  	s9 =	sshll.u32 s9, $0x4;
	s15 =	sshrl.u32 s14, $0x3;
	s23 =	sshrl.u32 s18, $0x3  }
0xf: {  	s24 =	sshrl.u32 s19, $0x3;
	s16 =	sshrl.u32 s20, $0x3;
	s26 =	sshrl.u32 s12, $0x3  }
0x10: {  	s21 =	sshll.u32 s13, $0x4;
	s22 =	sshrl.u32 s17, $0x3;
	s12 =	sshll.u32 s12, $0x4  }
0x11: {  	s13 =	simm.s32 $0x190;
	s5 =	sadd.s32 s0, s5;
	s15 =	sadd.s32 s0, s15  }
0x12: {  	s6 =	sadd.s32 s0, s6;
	s25 =	sadd.s32 s0, s16;
	[dreg:$0x4] =	wrdreg s15  }
0x13: {  	s8 =	sadd.s32 $0x64, s4;
	s16 =	sadd.s32 $0x96, s4;
	[dreg:$0x7] =	wrdreg s25  }
0x14: {  	s9 =	sadd.s32 s10, s9;
	s15 =	sadd.s32 s0, s23;
	[dreg:$0x9] =	wrdreg s16  }
0x15: {  	s16 =	sadd.s32 s10, s21;
	s23 =	sshll.u32 s14, $0x4;
	s25 =	sshll.u32 s19, $0x4  }
0x16: {  	s21 =	sadd.s32 s10, s12;
	s12 =	simm.s32 $0x3;
	s14 =	simm.s32 $0x5  }
0x17: {  	[dreg:$0x5] =	wrdreg s15;
	s15 =	sadd.s32 s0, s24;
	s0 =	sadd.s32 s0, s26  }
0x18: {  	s17 =	sadd.s32 s10, s23;
	s24 =	sshll.u32 s18, $0x4;
	s26 =	sshll.u32 s20, $0x4  }
.Ltmp0:
0x19: {  	s19 =	sadd.s32 s10, s25;
	[dreg:$0x6] =	wrdreg s15;
	(pc) =	sbr.rel .LBB2_1-.Ltmp0, $4  }
0x1a: {  	s25 =	simm.s32 $0x200;
	[dreg:$0x8] =	wrdreg s0;
	s0 =	sadd.s32 s10, s22  }
0x1b: {  	s18 =	sadd.s32 s10, s24;
	s20 =	sadd.s32 s10, s26;
	s24 =	smax.u32 s1, $0x1  }
0x1c: {  	s26 =	simm.s32 $0x1;
	s1 =	simm.s32 $0x140;
	s10 =	simm.s32 $0x4  }
0x1d: {  	s22 =	sadd.s32 $0x3200, s0;
	s23 =	sadd.s32 $0x4B00, s0;
	s0 =	simm.s32 $0xCE00  }
.LBB2_3:
0x1e: {  	_ =	swait.ge [sflag:s10], $0xC800  }
0x1f: {  	[sflag:s10] =	ssyncset.done $0x0  }
0x20: {  	[sflag:s10] =	ssyncadd.s32 $0xFFFF3800  }
0x21: {  	[hbm4b:s16+s3] =	stream.linear.scatter [tilespmem:s29], [sflag:$0x6], $0xC800, $0x38;
	[tilespmem:$0x19600] =	vst v63  }
0x22: {  	_ =	swait.ge [sflag:s11], $0xC800  }
0x23: {  	[sflag:s11] =	ssyncset.done $0x0  }
0x24: {  	[sflag:s11] =	ssyncadd.s32 $0xFFFF3800  }
.LBB2_4:
0x25: {  	s24 =	sadd.s32 $0xFFFFFFFF, s24  }
0x26: {  	p1 =	sne.s32 s24, $0x0  }
.Ltmp1:
0x27: {  	_ = 	snop;
	(pc) =	sbr.rel @!p1 .LBB2_5-.Ltmp1, $1  }
0x28: {  	_ =	sdelay $0x3  }
.LBB2_1:
0x29: {  	[tilespmem:s3], [sflag:$0x1] =	stream.linear.gather [hbm4b:s4+s3], $0x50, $0x38;
	[tilespmem:$0x19600] =	vst v63  }
0x2a: {  	_ = 	snop  }
0x2b: {  	[tilespmem:s25], [sflag:$0x2] =	stream.linear.gather [hbm4b:s5+s3], $0x140, $0x38;
	[tilespmem:$0x19600] =	vst v63  }
0x2c: {  	_ =	swait.ge [sflag:s26], $0x50  }
0x2d: {  	[sflag:s26] =	ssyncset.done $0x0  }
0x2e: {  	[sflag:s26] =	ssyncadd.s32 $0xFFFFFFB0  }
0x2f: {  	[tilespmem:s29], [sflag:$0x4] =	stream.indirect.gather [hbm4b:s2+s28], $0x80, s3, s28, $0xb8;
	[tilespmem:$0x19600] =	vst v63  }
0x30: {  	_ = 	snop  }
0x31: {  	[tilespmem:s30], [sflag:$0x3] =	stream.linear.gather [hbm4b:s6+s3], $0x190, $0x38;
	[tilespmem:$0x19600] =	vst v63  }
0x32: {  	_ =	swait.ge [sflag:s31], $0x140  }
0x33: {  	[sflag:s31] =	ssyncset.done $0x0  }
0x34: {  	[sflag:s31] =	ssyncadd.s32 $0xFFFFFEC0  }
0x35: {  	[tilespmem:s0], [sflag:$0x5] =	stream.indirect.gather [hbm4b:s2+s1], $0x80, s25, s1, $0xb8;
	[tilespmem:$0x19600] =	vst v63  }
0x36: {  	_ =	swait.ge [sflag:s10], $0x2800  }
0x37: {  	[sflag:s10] =	ssyncset.done $0x0  }
0x38: {  	[sflag:s10] =	ssyncadd.s32 $0xFFFFD800  }
0x39: {  	[hbm4b:s7+s3] =	stream.linear.scatter [tilespmem:s29], [sflag:$0x6], $0x2800, $0x38;
	[tilespmem:$0x19600] =	vst v63  }
0x3a: {  	_ =	swait.ge [sflag:s11], $0x2800  }
0x3b: {  	[sflag:s11] =	ssyncset.done $0x0  }
0x3c: {  	s15 =	simm.s32 @!p0 $0x0;
	[sflag:s11] =	ssyncadd.s32 $0xFFFFD800  }
0x3d: {  	[tilespmem:s15], [sflag:$0x1] =	stream.linear.gather @!p0 [hbm4b:s8+s15], $0x190, $0x38;
	[tilespmem:$0x19600] =	vst v63  }
0x3e: {  	_ =	swait.ge [sflag:s12], $0x190  }
0x3f: {  	[sflag:s12] =	ssyncset.done $0x0  }
0x40: {  	[sflag:s12] =	ssyncadd.s32 $0xFFFFFE70  }
0x41: {  	[tilespmem:s29], [sflag:$0x4] =	stream.indirect.gather [hbm4b:s2+s13], $0x80, s30, s13, $0xb8;
	[tilespmem:$0x19600] =	vst v63  }
0x42: {  	_ =	swait.ge [sflag:s14], $0xA000  }
0x43: {  	[sflag:s14] =	ssyncset.done $0x0  }
.Ltmp2:
0x44: {  	[sflag:s14] =	ssyncadd.s32 $0xFFFF6000;
	(pc) =	sbr.rel @p0 .LBB2_3-.Ltmp2, $4  }
0x45: {  	[hbm4b:s9+s3] =	stream.linear.scatter [tilespmem:s0], [sflag:$0x6], $0xA000, $0x38;
	[tilespmem:$0x19600] =	vst v63  }
0x46: {  	_ =	swait.ge [sflag:s11], $0xA000  }
0x47: {  	[sflag:s11] =	ssyncset.done $0x0  }
0x48: {  	[sflag:s11] =	ssyncadd.s32 $0xFFFF6000  }
0x49: {  	s15 =	rddreg [dreg:$0x9]  }
0x4a: {  	[tilespmem:s25], [sflag:$0x2] =	stream.linear.gather [hbm4b:s15+s3], $0x190, $0x38;
	[tilespmem:$0x19600] =	vst v63  }
0x4b: {  	_ =	swait.ge [sflag:s26], $0x190  }
0x4c: {  	[sflag:s26] =	ssyncset.done $0x0  }
0x4d: {  	[sflag:s26] =	ssyncadd.s32 $0xFFFFFE70  }
0x4e: {  	[tilespmem:s0], [sflag:$0x5] =	stream.indirect.gather [hbm4b:s2+s13], $0x80, s3, s13, $0xb8;
	[tilespmem:$0x19600] =	vst v63  }
0x4f: {  	_ =	swait.ge [sflag:s10], $0xC800  }
0x50: {  	[sflag:s10] =	ssyncset.done $0x0  }
0x51: {  	[sflag:s10] =	ssyncadd.s32 $0xFFFF3800  }
0x52: {  	[hbm4b:s16+s3] =	stream.linear.scatter [tilespmem:s29], [sflag:$0x6], $0xC800, $0x38;
	[tilespmem:$0x19600] =	vst v63  }
0x53: {  	_ =	swait.ge [sflag:s11], $0xC800  }
0x54: {  	[sflag:s11] =	ssyncset.done $0x0  }
0x55: {  	s15 =	rddreg [dreg:$0x4];
	[sflag:s11] =	ssyncadd.s32 $0xFFFF3800  }
0x56: {  	[tilespmem:s30], [sflag:$0x3] =	stream.linear.gather [hbm4b:s15+s3], $0x190, $0x38;
	[tilespmem:$0x19600] =	vst v63  }
0x57: {  	_ =	swait.ge [sflag:s31], $0x190  }
0x58: {  	[sflag:s31] =	ssyncset.done $0x0  }
0x59: {  	[sflag:s31] =	ssyncadd.s32 $0xFFFFFE70  }
0x5a: {  	[tilespmem:s29], [sflag:$0x4] =	stream.indirect.gather [hbm4b:s2+s13], $0x80, s25, s13, $0xb8;
	[tilespmem:$0x19600] =	vst v63  }
0x5b: {  	_ =	swait.ge [sflag:s14], $0xC800  }
0x5c: {  	[sflag:s14] =	ssyncset.done $0x0  }
0x5d: {  	[sflag:s14] =	ssyncadd.s32 $0xFFFF3800  }
0x5e: {  	[hbm4b:s22+s3] =	stream.linear.scatter [tilespmem:s0], [sflag:$0x6], $0xC800, $0x38;
	[tilespmem:$0x19600] =	vst v63  }
0x5f: {  	_ =	swait.ge [sflag:s11], $0xC800  }
0x60: {  	[sflag:s11] =	ssyncset.done $0x0  }
0x61: {  	s15 =	rddreg [dreg:$0x5];
	[sflag:s11] =	ssyncadd.s32 $0xFFFF3800  }
0x62: {  	[tilespmem:s3], [sflag:$0x1] =	stream.linear.gather [hbm4b:s15+s3], $0x190, $0x38;
	[tilespmem:$0x19600] =	vst v63  }
0x63: {  	_ =	swait.ge [sflag:s12], $0x190  }
0x64: {  	[sflag:s12] =	ssyncset.done $0x0  }
0x65: {  	[sflag:s12] =	ssyncadd.s32 $0xFFFFFE70  }
0x66: {  	[tilespmem:s0], [sflag:$0x5] =	stream.indirect.gather [hbm4b:s2+s13], $0x80, s30, s13, $0xb8;
	[tilespmem:$0x19600] =	vst v63  }
0x67: {  	_ =	swait.ge [sflag:s10], $0xC800  }
0x68: {  	[sflag:s10] =	ssyncset.done $0x0  }
0x69: {  	[sflag:s10] =	ssyncadd.s32 $0xFFFF3800  }
0x6a: {  	[hbm4b:s23+s3] =	stream.linear.scatter [tilespmem:s29], [sflag:$0x6], $0xC800, $0x38;
	[tilespmem:$0x19600] =	vst v63  }
0x6b: {  	_ =	swait.ge [sflag:s11], $0xC800  }
0x6c: {  	[sflag:s11] =	ssyncset.done $0x0  }
0x6d: {  	s15 =	rddreg [dreg:$0x6];
	[sflag:s11] =	ssyncadd.s32 $0xFFFF3800  }
0x6e: {  	[tilespmem:s25], [sflag:$0x2] =	stream.linear.gather [hbm4b:s15+s3], $0x190, $0x38;
	[tilespmem:$0x19600] =	vst v63  }
0x6f: {  	_ =	swait.ge [sflag:s26], $0x190  }
0x70: {  	[sflag:s26] =	ssyncset.done $0x0  }
0x71: {  	[sflag:s26] =	ssyncadd.s32 $0xFFFFFE70  }
0x72: {  	[tilespmem:s29], [sflag:$0x4] =	stream.indirect.gather [hbm4b:s2+s13], $0x80, s3, s13, $0xb8;
	[tilespmem:$0x19600] =	vst v63  }
0x73: {  	_ =	swait.ge [sflag:s14], $0xC800  }
0x74: {  	[sflag:s14] =	ssyncset.done $0x0  }
0x75: {  	[sflag:s14] =	ssyncadd.s32 $0xFFFF3800  }
0x76: {  	[hbm4b:s17+s3] =	stream.linear.scatter [tilespmem:s0], [sflag:$0x6], $0xC800, $0x38;
	[tilespmem:$0x19600] =	vst v63  }
0x77: {  	_ =	swait.ge [sflag:s11], $0xC800  }
0x78: {  	[sflag:s11] =	ssyncset.done $0x0  }
0x79: {  	s15 =	rddreg [dreg:$0x7];
	[sflag:s11] =	ssyncadd.s32 $0xFFFF3800  }
0x7a: {  	[tilespmem:s30], [sflag:$0x3] =	stream.linear.gather [hbm4b:s15+s3], $0x140, $0x38;
	[tilespmem:$0x19600] =	vst v63  }
0x7b: {  	_ =	swait.ge [sflag:s31], $0x190  }
0x7c: {  	[sflag:s31] =	ssyncset.done $0x0  }
0x7d: {  	[sflag:s31] =	ssyncadd.s32 $0xFFFFFE70  }
0x7e: {  	[tilespmem:s0], [sflag:$0x5] =	stream.indirect.gather [hbm4b:s2+s13], $0x80, s25, s13, $0xb8;
	[tilespmem:$0x19600] =	vst v63  }
0x7f: {  	_ =	swait.ge [sflag:s10], $0xC800  }
0x80: {  	[sflag:s10] =	ssyncset.done $0x0  }
0x81: {  	[sflag:s10] =	ssyncadd.s32 $0xFFFF3800  }
0x82: {  	[hbm4b:s18+s3] =	stream.linear.scatter [tilespmem:s29], [sflag:$0x6], $0xC800, $0x38;
	[tilespmem:$0x19600] =	vst v63  }
0x83: {  	_ =	swait.ge [sflag:s11], $0xC800  }
0x84: {  	[sflag:s11] =	ssyncset.done $0x0  }
0x85: {  	s15 =	rddreg [dreg:$0x8];
	[sflag:s11] =	ssyncadd.s32 $0xFFFF3800  }
0x86: {  	[tilespmem:s3], [sflag:$0x1] =	stream.linear.gather [hbm4b:s15+s3], $0x50, $0x38;
	[tilespmem:$0x19600] =	vst v63  }
0x87: {  	_ =	swait.ge [sflag:s12], $0x140  }
0x88: {  	[sflag:s12] =	ssyncset.done $0x0  }
0x89: {  	[sflag:s12] =	ssyncadd.s32 $0xFFFFFEC0  }
0x8a: {  	[tilespmem:s29], [sflag:$0x4] =	stream.indirect.gather [hbm4b:s2+s1], $0x80, s30, s1, $0xb8;
	[tilespmem:$0x19600] =	vst v63  }
0x8b: {  	_ =	swait.ge [sflag:s14], $0xC800  }
0x8c: {  	[sflag:s14] =	ssyncset.done $0x0  }
0x8d: {  	[sflag:s14] =	ssyncadd.s32 $0xFFFF3800  }
0x8e: {  	[hbm4b:s19+s3] =	stream.linear.scatter [tilespmem:s0], [sflag:$0x6], $0xC800, $0x38;
	[tilespmem:$0x19600] =	vst v63  }
0x8f: {  	_ =	swait.ge [sflag:s11], $0xC800  }
0x90: {  	[sflag:s11] =	ssyncset.done $0x0  }
0x91: {  	[sflag:s11] =	ssyncadd.s32 $0xFFFF3800  }
0x92: {  	_ =	swait.ge [sflag:s26], $0x50  }
0x93: {  	[sflag:s26] =	ssyncset.done $0x0  }
0x94: {  	[sflag:s26] =	ssyncadd.s32 $0xFFFFFFB0  }
0x95: {  	[tilespmem:s0], [sflag:$0x5] =	stream.indirect.gather [hbm4b:s2+s28], $0x80, s3, s28, $0xb8;
	[tilespmem:$0x19600] =	vst v63  }
0x96: {  	_ =	swait.ge [sflag:s10], $0xA000  }
0x97: {  	[sflag:s10] =	ssyncset.done $0x0  }
0x98: {  	[sflag:s10] =	ssyncadd.s32 $0xFFFF6000  }
0x99: {  	[hbm4b:s20+s3] =	stream.linear.scatter [tilespmem:s29], [sflag:$0x6], $0xA000, $0x38;
	[tilespmem:$0x19600] =	vst v63  }
0x9a: {  	_ =	swait.ge [sflag:s11], $0xA000  }
0x9b: {  	[sflag:s11] =	ssyncset.done $0x0  }
0x9c: {  	[sflag:s11] =	ssyncadd.s32 $0xFFFF6000  }
0x9d: {  	_ =	swait.ge [sflag:s14], $0x2800  }
0x9e: {  	[sflag:s14] =	ssyncset.done $0x0  }
.Ltmp3:
0x9f: {  	[sflag:s14] =	ssyncadd.s32 $0xFFFFD800;
	(pc) =	sbr.rel .LBB2_4-.Ltmp3, $4  }
0xa0: {  	[hbm4b:s21+s3] =	stream.linear.scatter [tilespmem:s0], [sflag:$0x6], $0x2800, $0x38;
	[tilespmem:$0x19600] =	vst v63  }
0xa1: {  	_ =	swait.ge [sflag:s11], $0x2800  }
0xa2: {  	[sflag:s11] =	ssyncset.done $0x0  }
0xa3: {  	[sflag:s11] =	ssyncadd.s32 $0xFFFFD800  }
.LBB2_5:
0xa4: {  	_ =	sfence.sel $0x180000  }
0xa5: {  	[bflag:$0x0] =	sbarrier.arrive $0xFFFF  }
0xa6: {  	_ =	strace $0x90000047  }
0xa7: {  	s0 =	stileid.u32;
	[bflag:$0x2] =	sbarrier.arrive $0xFFFF  }
0xa8: {  	p0 =	sne.s32 s0, $0x0;
	s0 =	rddreg [dreg:$0x3]  }
0xa9: {  	s0 =	sadd.s32 @!p0 $0x100000, s0  }
0xaa: {  	[sflag:s0] =	ssyncadd.tile.s32 @!p0 $0x1;
	_ =	shalt  }
.Lfunc_end2:
_tile_overlayer_lowered:
.L_overlay_start_2:
0xab: {  	(tag) =	ssettag $0x2  }
0xac: {  	s0 =	rddreg [dreg:$0x0];
	s2 =	stileid.u32  }
0xad: {  	s1 =	rddreg [dreg:$0x1];
	p0 =	sne.s32 s2, $0x0  }
0xae: {  	s3 =	rddreg [dreg:$0x2];
	[bflag:$0x3] =	sbarrier.arrive $0xFFFF;
	s2 =	simm.s32 @!p0 $0x1C06  }
0xaf: {  	[timem:s3], [sflag:s2] =	dma.local @!p0 [hbm:s0], s1  }
0xb0: {  	s0 =	simm.s32 @!p0 $0x6  }
0xb1: {  	_ =	swait.ge @!p0 [sflag:s0], s1  }
0xb2: {  	s1 =	ssub.s32 @!p0 $0x0, s1;
	[sflag:s0] =	ssyncset.done @!p0 $0x0  }
0xb3: {  	[sflag:s0] =	ssyncadd.s32 @!p0 s1  }
0xb4: {  	[bflag:$0x3] =	sbarrier.arrive $0xFFFF  }
0xb5: {  	_ =	shalt  }

</sc_bundles>
